<compile_context>
chip_gen: v7x
topology: tpu7x:2x2x1
jax: 0.10.2.dev20260603
libtpu: 0.0.44.dev20260713+nightly
codegen_flags: <defaults>
</compile_context>

<pallas_src>
import functools

import jax
import jax.numpy as jnp
from jax import lax
from jax.experimental import pallas as pl
from jax.experimental.pallas import tpu as pltpu
from jax.experimental.pallas import tpu_sc as plsc

NW = 32
LANES = 128
L = 16


def _sc_gather_main_t(idx2d, cell_means, B, D, DM):
    b_per_w = B // NW
    n_chunks = DM // LANES

    mesh = plsc.VectorSubcoreMesh(core_axis_name="c", subcore_axis_name="s")

    @functools.partial(
        pl.kernel,
        mesh=mesh,
        out_type=jax.ShapeDtypeStruct((D, B), jnp.float32),
        compiler_params=pltpu.CompilerParams(needs_layout_passes=False),
        scratch_types=[
            pltpu.VMEM((NW, b_per_w), jnp.int32),
            *[pltpu.VMEM((b_per_w, LANES), jnp.float32) for _ in range(2)],
            *[pltpu.VMEM((LANES, b_per_w), jnp.float32) for _ in range(2)],
            *[pltpu.SemaphoreType.DMA for _ in range(4)],
        ],
    )
    def gather_kernel(idx_hbm, table_hbm, outt_hbm, idx_v, *rest):
        ibufs = rest[0:2]
        obufs = rest[2:4]
        gsems = rest[4:6]
        wsems = rest[6:8]
        wid = lax.axis_index("s") * 2 + lax.axis_index("c")
        col0 = wid * b_per_w
        pltpu.sync_copy(idx_hbm, idx_v)

        def g_start(c, p):
            pltpu.async_copy(
                table_hbm.at[idx_v.at[wid], pl.ds(c * LANES, LANES)],
                ibufs[p],
                gsems[p],
            )

        def g_wait(c, p):
            pltpu.make_async_copy(
                table_hbm.at[idx_v.at[wid], pl.ds(c * LANES, LANES)],
                ibufs[p],
                gsems[p],
            ).wait()

        def out_at(c):
            return outt_hbm.at[pl.ds(c * LANES, LANES), pl.ds(col0, b_per_w)]

        def w_start(c, p):
            pltpu.async_copy(obufs[p], out_at(c), wsems[p])

        def w_wait(c, p):
            pltpu.make_async_copy(obufs[p], out_at(c), wsems[p]).wait()

        iota16 = lax.iota(jnp.int32, L)

        def transpose(p):
            def tbody(g, carry):
                cols = jnp.full((L,), g, jnp.int32)
                for j in range(b_per_w // L):
                    rows = iota16 + (j * L)
                    v = plsc.load_gather(ibufs[p], [rows, cols])
                    obufs[p][g, pl.ds(j * L, L)] = v
                return carry

            lax.fori_loop(0, LANES, tbody, 0)

        g_start(0, 0)

        def body(c2, carry):
            for p in range(2):
                c = c2 * 2 + p

                @pl.when(c + 1 < n_chunks)
                def _():
                    g_wait(c, p)
                    g_start(c + 1, 1 - p)

                @pl.when(c + 1 >= n_chunks)
                def _():
                    g_wait(c, p)

                @pl.when(c >= 2)
                def _():
                    w_wait(c - 2, p)

                transpose(p)
                w_start(c, p)
            return carry

        lax.fori_loop(0, n_chunks // 2, body, 0)
        w_wait(n_chunks - 2, 0)
        w_wait(n_chunks - 1, 1)

    return gather_kernel(idx2d, cell_means)


def _tc_gather_tail_t(idx, cell_means, outt_main, B, V, D, DM):
    DT = D - DM

    def tail_kernel(idx_ref, tab_ref, _, o_ref):
        onehot = (
            lax.broadcasted_iota(jnp.int32, (V, B), 0) == idx_ref[...]
        ).astype(jnp.float32)
        res = lax.dot_general(
            tab_ref[...],
            onehot,
            (((0,), (0,)), ((), ())),
            preferred_element_type=jnp.float32,
            precision=lax.Precision.HIGHEST,
        )
        o_ref[...] = res[:DT, :]

    return pl.pallas_call(
        tail_kernel,
        grid=(1,),
        in_specs=[
            pl.BlockSpec((1, B), lambda g: (0, 0)),
            pl.BlockSpec((V, LANES), lambda g: (0, DM // LANES)),
            pl.BlockSpec(memory_space=pl.ANY),
        ],
        out_specs=pl.BlockSpec((DT, B), lambda g: (DM // DT, 0)),
        out_shape=jax.ShapeDtypeStruct((D, B), jnp.float32),
        input_output_aliases={2: 0},
    )(idx.reshape(1, B), cell_means, outt_main)


def kernel(cell_index, cell_means):
    B = cell_index.shape[0]
    V, D = cell_means.shape
    DM = (D // LANES) * LANES

    idx = cell_index.astype(jnp.int32)
    idx2d = idx.reshape(NW, B // NW)

    outt = _sc_gather_main_t(idx2d, cell_means, B, D, DM)
    if DM != D:
        outt = _tc_gather_tail_t(idx, cell_means, outt, B, V, D, DM)
    return outt.T

# --- scband reference (transcript-rebuilt; emitter-appended) ---
"""Pipeline reference for scband-per-cell-mean-baseline-50268297232976 (READ-ONLY COPY).

The authoritative reference and input builder live on the scoring server;
editing this copy changes nothing except your own understanding.
"""

import jax, jax.numpy as jnp
import numpy as np

NUM_CELLS = 1000
N_GENES = 20000
BATCH = 4096

def setup_inputs(seed: int = 0) -> dict:
    key = jax.random.key(seed)
    k1, k2 = jax.random.split(key)
    cell_index = jax.random.randint(k1, (BATCH,), 0, NUM_CELLS, dtype=jnp.int64 if jax.config.jax_enable_x64 else jnp.int32)
    # cell_means buffer: in the torch module it is zeros until fit; we use random values
    # so the gather is nontrivial, matching the post-fit state of the baseline.
    cell_means = jax.random.normal(k2, (NUM_CELLS, N_GENES), dtype=jnp.float32)
    return {"cell_index": cell_index, "cell_means": cell_means}

def reference(cell_index, cell_means):
    # forward: means = self.cell_means[cell_idx]; returns {'mean': means}
    cell_idx = cell_index.astype(jnp.int32)
    means = jnp.take(cell_means, cell_idx, axis=0)
    return means

if __name__ == "__main__":
    import jax
    _d = setup_inputs()
    print(jax.jit(kernel)(*tuple(_d.values())))

</pallas_src>

<mosaic_0001>
#map = affine_map<(d0, d1) -> (0, 0)>
module attributes {stable_mosaic.version = 14 : i64} {
  func.func @gather_kernel(%arg0: i32, %arg1: i32, %arg2: memref<32x128xi32, #tpu.memory_space<hbm>>, %arg3: memref<1000x20000xf32, #tpu.memory_space<hbm>>, %arg4: memref<20000x4096xf32, #tpu.memory_space<hbm>>, %arg5: memref<32x128xi32, #tpu.memory_space<vmem>>, %arg6: memref<128x128xf32, #tpu.memory_space<vmem>>, %arg7: memref<128x128xf32, #tpu.memory_space<vmem>>, %arg8: memref<128x128xf32, #tpu.memory_space<vmem>>, %arg9: memref<128x128xf32, #tpu.memory_space<vmem>>, %arg10: memref<!tpu.dma_semaphore, #tpu.memory_space<semaphore_mem>>, %arg11: memref<!tpu.dma_semaphore, #tpu.memory_space<semaphore_mem>>, %arg12: memref<!tpu.dma_semaphore, #tpu.memory_space<semaphore_mem>>, %arg13: memref<!tpu.dma_semaphore, #tpu.memory_space<semaphore_mem>>) attributes {dimension_semantics = [#tpu.dimension_semantics<core_parallel>, #tpu.dimension_semantics<subcore_parallel>], iteration_bounds = array<i64: 2, 16>, scalar_prefetch = 0 : i64, scratch_operands = 9 : i64, tpu.core_type = #tpu.core_type<sc_vector_subcore>, window_params = [{transform_indices = #map}, {transform_indices = #map}, {transform_indices = #map}]} {
    %mul3A = arith.constant 2 : i32
    %mul3A_0 = arith.muli %arg1, %mul3A : i32
    %add3A = arith.addi %mul3A_0, %arg0 : i32
    %mul3A_1 = arith.constant 128 : i32
    %mul3A_2 = arith.muli %add3A, %mul3A_1 : i32
    "tpu.region"() ({
      %run_scoped3A = tpu.sem_alloc : memref<!tpu.dma_semaphore, #tpu.memory_space<semaphore_mem>>
      tpu.enqueue_dma source(%arg2 : memref<32x128xi32, #tpu.memory_space<hbm>>) target(%arg5 : memref<32x128xi32, #tpu.memory_space<vmem>>) target_semaphore(%run_scoped3A : memref<!tpu.dma_semaphore, #tpu.memory_space<semaphore_mem>>)
      tpu.wait_dma2 semaphore(%run_scoped3A : memref<!tpu.dma_semaphore, #tpu.memory_space<semaphore_mem>>) src(%arg2 : memref<32x128xi32, #tpu.memory_space<hbm>>) dst(%arg5 : memref<32x128xi32, #tpu.memory_space<vmem>>)
      tpu.yield
    }) : () -> ()
    %iota3A = tpu.iota {dimensions = array<i32: 0>} : vector<16xi32>
    %dma_start3A = arith.constant 0 : i32
    %dma_start3A_3 = tpu.memref_slice %arg5[%add3A, %dma_start3A] : memref<32x128xi32, #tpu.memory_space<vmem>> -> memref<1x128xi32, #tpu.memory_space<vmem>>
    %dma_start3A_4 = tpu.memref_squeeze %dma_start3A_3 : memref<1x128xi32, #tpu.memory_space<vmem>> -> memref<128xi32, #tpu.memory_space<vmem>>
    %dma_start3A_5 = arith.constant 0 : i32
    %dma_start3A_6 = arith.constant 0 : i32
    %dma_start3A_7 = tpu.memref_slice %arg3[%dma_start3A_5, %dma_start3A_6] : memref<1000x20000xf32, #tpu.memory_space<hbm>> -> memref<1000x128xf32, #tpu.memory_space<hbm>>
    tpu.enqueue_indirect_dma source(%dma_start3A_7 : memref<1000x128xf32, #tpu.memory_space<hbm>>) target(%arg6 : memref<128x128xf32, #tpu.memory_space<vmem>>) offsets(%dma_start3A_4 : memref<128xi32, #tpu.memory_space<vmem>>) semaphore(%arg10 : memref<!tpu.dma_semaphore, #tpu.memory_space<semaphore_mem>>)
    %scan3A = arith.constant 0 : i32
    %scan3A_8 = arith.constant 0 : i32
    %scan3A_9 = arith.constant 78 : i32
    %scan3A_10 = arith.addi %scan3A_8, %scan3A_9 : i32
    %scan3A_11 = arith.constant 1 : i32
    scf.for %scan3A_20 = %scan3A_8 to %scan3A_10 step %scan3A_11  : i32 {
      %mul3A_21 = arith.constant 2 : i32
      %mul3A_22 = arith.muli %scan3A_20, %mul3A_21 : i32
      %add3A_23 = arith.constant 0 : i32
      %add3A_24 = arith.addi %mul3A_22, %add3A_23 : i32
      %add3A_25 = arith.constant 1 : i32
      %add3A_26 = arith.addi %add3A_24, %add3A_25 : i32
      %lt3A = arith.constant 156 : i32
      %lt3A_27 = arith.cmpi slt, %add3A_26, %lt3A : i32
      %convert_element_type3A = arith.extui %lt3A_27 : i1 to i32
      %cond3A = arith.constant 0 : i32
      %cond3A_28 = arith.cmpi ne, %convert_element_type3A, %cond3A : i32
      scf.if %cond3A_28 {
        %mul3A_83 = arith.constant 128 : i32
        %mul3A_84 = arith.muli %add3A_24, %mul3A_83 : i32
        %dma_wait3A_85 = arith.constant 0 : i32
        %dma_wait3A_86 = tpu.memref_slice %arg5[%add3A, %dma_wait3A_85] : memref<32x128xi32, #tpu.memory_space<vmem>> -> memref<1x128xi32, #tpu.memory_space<vmem>>
        %dma_wait3A_87 = tpu.memref_squeeze %dma_wait3A_86 : memref<1x128xi32, #tpu.memory_space<vmem>> -> memref<128xi32, #tpu.memory_space<vmem>>
        %dma_wait3A_88 = arith.constant 0 : i32
        %dma_wait3A_89 = tpu.memref_slice %arg3[%dma_wait3A_88, %mul3A_84] : memref<1000x20000xf32, #tpu.memory_space<hbm>> -> memref<1000x128xf32, #tpu.memory_space<hbm>>
        tpu.wait_indirect_dma semaphore(%arg10 : memref<!tpu.dma_semaphore, #tpu.memory_space<semaphore_mem>>) src(%dma_wait3A_89 : memref<1000x128xf32, #tpu.memory_space<hbm>>) dst(%arg6 : memref<128x128xf32, #tpu.memory_space<vmem>>)
        %add3A_90 = arith.constant 1 : i32
        %add3A_91 = arith.addi %add3A_24, %add3A_90 : i32
        %mul3A_92 = arith.constant 128 : i32
        %mul3A_93 = arith.muli %add3A_91, %mul3A_92 : i32
        %dma_start3A_94 = arith.constant 0 : i32
        %dma_start3A_95 = tpu.memref_slice %arg5[%add3A, %dma_start3A_94] : memref<32x128xi32, #tpu.memory_space<vmem>> -> memref<1x128xi32, #tpu.memory_space<vmem>>
        %dma_start3A_96 = tpu.memref_squeeze %dma_start3A_95 : memref<1x128xi32, #tpu.memory_space<vmem>> -> memref<128xi32, #tpu.memory_space<vmem>>
        %dma_start3A_97 = arith.constant 0 : i32
        %dma_start3A_98 = tpu.memref_slice %arg3[%dma_start3A_97, %mul3A_93] : memref<1000x20000xf32, #tpu.memory_space<hbm>> -> memref<1000x128xf32, #tpu.memory_space<hbm>>
        tpu.enqueue_indirect_dma source(%dma_start3A_98 : memref<1000x128xf32, #tpu.memory_space<hbm>>) target(%arg7 : memref<128x128xf32, #tpu.memory_space<vmem>>) offsets(%dma_start3A_96 : memref<128xi32, #tpu.memory_space<vmem>>) semaphore(%arg11 : memref<!tpu.dma_semaphore, #tpu.memory_space<semaphore_mem>>)
      } else {
      }
      %add3A_29 = arith.constant 1 : i32
      %add3A_30 = arith.addi %add3A_24, %add3A_29 : i32
      %ge3A = arith.constant 156 : i32
      %ge3A_31 = arith.cmpi sge, %add3A_30, %ge3A : i32
      %convert_element_type3A_32 = arith.extui %ge3A_31 : i1 to i32
      %cond3A_33 = arith.constant 0 : i32
      %cond3A_34 = arith.cmpi ne, %convert_element_type3A_32, %cond3A_33 : i32
      scf.if %cond3A_34 {
        %mul3A_83 = arith.constant 128 : i32
        %mul3A_84 = arith.muli %add3A_24, %mul3A_83 : i32
        %dma_wait3A_85 = arith.constant 0 : i32
        %dma_wait3A_86 = tpu.memref_slice %arg5[%add3A, %dma_wait3A_85] : memref<32x128xi32, #tpu.memory_space<vmem>> -> memref<1x128xi32, #tpu.memory_space<vmem>>
        %dma_wait3A_87 = tpu.memref_squeeze %dma_wait3A_86 : memref<1x128xi32, #tpu.memory_space<vmem>> -> memref<128xi32, #tpu.memory_space<vmem>>
        %dma_wait3A_88 = arith.constant 0 : i32
        %dma_wait3A_89 = tpu.memref_slice %arg3[%dma_wait3A_88, %mul3A_84] : memref<1000x20000xf32, #tpu.memory_space<hbm>> -> memref<1000x128xf32, #tpu.memory_space<hbm>>
        tpu.wait_indirect_dma semaphore(%arg10 : memref<!tpu.dma_semaphore, #tpu.memory_space<semaphore_mem>>) src(%dma_wait3A_89 : memref<1000x128xf32, #tpu.memory_space<hbm>>) dst(%arg6 : memref<128x128xf32, #tpu.memory_space<vmem>>)
      } else {
      }
      %ge3A_35 = arith.constant 2 : i32
      %ge3A_36 = arith.cmpi sge, %add3A_24, %ge3A_35 : i32
      %convert_element_type3A_37 = arith.extui %ge3A_36 : i1 to i32
      %cond3A_38 = arith.constant 0 : i32
      %cond3A_39 = arith.cmpi ne, %convert_element_type3A_37, %cond3A_38 : i32
      scf.if %cond3A_39 {
        %sub3A = arith.constant 2 : i32
        %sub3A_83 = arith.subi %add3A_24, %sub3A : i32
        %mul3A_84 = arith.constant 128 : i32
        %mul3A_85 = arith.muli %sub3A_83, %mul3A_84 : i32
        %dma_wait3A_86 = tpu.memref_slice %arg4[%mul3A_85, %mul3A_2] : memref<20000x4096xf32, #tpu.memory_space<hbm>> -> memref<128x128xf32, #tpu.memory_space<hbm>>
        %dma_wait3A_87 = tpu.memref_slice %arg4[%mul3A_85, %mul3A_2] : memref<20000x4096xf32, #tpu.memory_space<hbm>> -> memref<128x128xf32, #tpu.memory_space<hbm>>
        tpu.wait_dma2 semaphore(%arg12 : memref<!tpu.dma_semaphore, #tpu.memory_space<semaphore_mem>>) src(%arg8 : memref<128x128xf32, #tpu.memory_space<vmem>>) dst(%dma_wait3A_87 : memref<128x128xf32, #tpu.memory_space<hbm>>)
      } else {
      }
      %scan3A_40 = arith.constant 0 : i32
      %scan3A_41 = arith.constant 0 : i32
      %scan3A_42 = arith.constant 128 : i32
      %scan3A_43 = arith.addi %scan3A_41, %scan3A_42 : i32
      %scan3A_44 = arith.constant 1 : i32
      scf.for %scan3A_83 = %scan3A_41 to %scan3A_43 step %scan3A_44  : i32 {
        %broadcast_in_dim3A = vector.broadcast %scan3A_83 : i32 to vector<16xi32>
        %add3A_84 = arith.constant 0 : i32
        %add3A_85 = vector.broadcast %add3A_84 : i32 to vector<16xi32>
        %add3A_86 = arith.addi %iota3A, %add3A_85 : vector<16xi32>
        %gather3A = tpu.vector_load_idx %arg6[%add3A_86, %broadcast_in_dim3A] : memref<128x128xf32, #tpu.memory_space<vmem>>[vector<16xi32>, vector<16xi32>], vector<16xf32>,
        %swap3A = arith.index_cast %scan3A_83 : i32 to index
        %swap3A_87 = arith.constant 0 : index
        %swap3A_88 = tpu.vector_load %arg8[%swap3A, %swap3A_87] {strides = array<i32>} : memref<128x128xf32, #tpu.memory_space<vmem>>, vector<16xf32>,
        tpu.vector_store %arg8[%swap3A, %swap3A_87], %gather3A {strides = array<i32>} : memref<128x128xf32, #tpu.memory_space<vmem>>, vector<16xf32>,
        %add3A_89 = arith.constant 16 : i32
        %add3A_90 = vector.broadcast %add3A_89 : i32 to vector<16xi32>
        %add3A_91 = arith.addi %iota3A, %add3A_90 : vector<16xi32>
        %gather3A_92 = tpu.vector_load_idx %arg6[%add3A_91, %broadcast_in_dim3A] : memref<128x128xf32, #tpu.memory_space<vmem>>[vector<16xi32>, vector<16xi32>], vector<16xf32>,
        %swap3A_93 = arith.index_cast %scan3A_83 : i32 to index
        %swap3A_94 = arith.constant 16 : index
        %swap3A_95 = tpu.vector_load %arg8[%swap3A_93, %swap3A_94] {strides = array<i32>} : memref<128x128xf32, #tpu.memory_space<vmem>>, vector<16xf32>,
        tpu.vector_store %arg8[%swap3A_93, %swap3A_94], %gather3A_92 {strides = array<i32>} : memref<128x128xf32, #tpu.memory_space<vmem>>, vector<16xf32>,
        %add3A_96 = arith.constant 32 : i32
        %add3A_97 = vector.broadcast %add3A_96 : i32 to vector<16xi32>
        %add3A_98 = arith.addi %iota3A, %add3A_97 : vector<16xi32>
        %gather3A_99 = tpu.vector_load_idx %arg6[%add3A_98, %broadcast_in_dim3A] : memref<128x128xf32, #tpu.memory_space<vmem>>[vector<16xi32>, vector<16xi32>], vector<16xf32>,
        %swap3A_100 = arith.index_cast %scan3A_83 : i32 to index
        %swap3A_101 = arith.constant 32 : index
        %swap3A_102 = tpu.vector_load %arg8[%swap3A_100, %swap3A_101] {strides = array<i32>} : memref<128x128xf32, #tpu.memory_space<vmem>>, vector<16xf32>,
        tpu.vector_store %arg8[%swap3A_100, %swap3A_101], %gather3A_99 {strides = array<i32>} : memref<128x128xf32, #tpu.memory_space<vmem>>, vector<16xf32>,
        %add3A_103 = arith.constant 48 : i32
        %add3A_104 = vector.broadcast %add3A_103 : i32 to vector<16xi32>
        %add3A_105 = arith.addi %iota3A, %add3A_104 : vector<16xi32>
        %gather3A_106 = tpu.vector_load_idx %arg6[%add3A_105, %broadcast_in_dim3A] : memref<128x128xf32, #tpu.memory_space<vmem>>[vector<16xi32>, vector<16xi32>], vector<16xf32>,
        %swap3A_107 = arith.index_cast %scan3A_83 : i32 to index
        %swap3A_108 = arith.constant 48 : index
        %swap3A_109 = tpu.vector_load %arg8[%swap3A_107, %swap3A_108] {strides = array<i32>} : memref<128x128xf32, #tpu.memory_space<vmem>>, vector<16xf32>,
        tpu.vector_store %arg8[%swap3A_107, %swap3A_108], %gather3A_106 {strides = array<i32>} : memref<128x128xf32, #tpu.memory_space<vmem>>, vector<16xf32>,
        %add3A_110 = arith.constant 64 : i32
        %add3A_111 = vector.broadcast %add3A_110 : i32 to vector<16xi32>
        %add3A_112 = arith.addi %iota3A, %add3A_111 : vector<16xi32>
        %gather3A_113 = tpu.vector_load_idx %arg6[%add3A_112, %broadcast_in_dim3A] : memref<128x128xf32, #tpu.memory_space<vmem>>[vector<16xi32>, vector<16xi32>], vector<16xf32>,
        %swap3A_114 = arith.index_cast %scan3A_83 : i32 to index
        %swap3A_115 = arith.constant 64 : index
        %swap3A_116 = tpu.vector_load %arg8[%swap3A_114, %swap3A_115] {strides = array<i32>} : memref<128x128xf32, #tpu.memory_space<vmem>>, vector<16xf32>,
        tpu.vector_store %arg8[%swap3A_114, %swap3A_115], %gather3A_113 {strides = array<i32>} : memref<128x128xf32, #tpu.memory_space<vmem>>, vector<16xf32>,
        %add3A_117 = arith.constant 80 : i32
        %add3A_118 = vector.broadcast %add3A_117 : i32 to vector<16xi32>
        %add3A_119 = arith.addi %iota3A, %add3A_118 : vector<16xi32>
        %gather3A_120 = tpu.vector_load_idx %arg6[%add3A_119, %broadcast_in_dim3A] : memref<128x128xf32, #tpu.memory_space<vmem>>[vector<16xi32>, vector<16xi32>], vector<16xf32>,
        %swap3A_121 = arith.index_cast %scan3A_83 : i32 to index
        %swap3A_122 = arith.constant 80 : index
        %swap3A_123 = tpu.vector_load %arg8[%swap3A_121, %swap3A_122] {strides = array<i32>} : memref<128x128xf32, #tpu.memory_space<vmem>>, vector<16xf32>,
        tpu.vector_store %arg8[%swap3A_121, %swap3A_122], %gather3A_120 {strides = array<i32>} : memref<128x128xf32, #tpu.memory_space<vmem>>, vector<16xf32>,
        %add3A_124 = arith.constant 96 : i32
        %add3A_125 = vector.broadcast %add3A_124 : i32 to vector<16xi32>
        %add3A_126 = arith.addi %iota3A, %add3A_125 : vector<16xi32>
        %gather3A_127 = tpu.vector_load_idx %arg6[%add3A_126, %broadcast_in_dim3A] : memref<128x128xf32, #tpu.memory_space<vmem>>[vector<16xi32>, vector<16xi32>], vector<16xf32>,
        %swap3A_128 = arith.index_cast %scan3A_83 : i32 to index
        %swap3A_129 = arith.constant 96 : index
        %swap3A_130 = tpu.vector_load %arg8[%swap3A_128, %swap3A_129] {strides = array<i32>} : memref<128x128xf32, #tpu.memory_space<vmem>>, vector<16xf32>,
        tpu.vector_store %arg8[%swap3A_128, %swap3A_129], %gather3A_127 {strides = array<i32>} : memref<128x128xf32, #tpu.memory_space<vmem>>, vector<16xf32>,
        %add3A_131 = arith.constant 112 : i32
        %add3A_132 = vector.broadcast %add3A_131 : i32 to vector<16xi32>
        %add3A_133 = arith.addi %iota3A, %add3A_132 : vector<16xi32>
        %gather3A_134 = tpu.vector_load_idx %arg6[%add3A_133, %broadcast_in_dim3A] : memref<128x128xf32, #tpu.memory_space<vmem>>[vector<16xi32>, vector<16xi32>], vector<16xf32>,
        %swap3A_135 = arith.index_cast %scan3A_83 : i32 to index
        %swap3A_136 = arith.constant 112 : index
        %swap3A_137 = tpu.vector_load %arg8[%swap3A_135, %swap3A_136] {strides = array<i32>} : memref<128x128xf32, #tpu.memory_space<vmem>>, vector<16xf32>,
        tpu.vector_store %arg8[%swap3A_135, %swap3A_136], %gather3A_134 {strides = array<i32>} : memref<128x128xf32, #tpu.memory_space<vmem>>, vector<16xf32>,
      }
      %scan3A_45 = arith.constant 128 : i32
      %mul3A_46 = arith.constant 128 : i32
      %mul3A_47 = arith.muli %add3A_24, %mul3A_46 : i32
      %dma_start3A_48 = tpu.memref_slice %arg4[%mul3A_47, %mul3A_2] : memref<20000x4096xf32, #tpu.memory_space<hbm>> -> memref<128x128xf32, #tpu.memory_space<hbm>>
      %dma_start3A_49 = tpu.memref_slice %arg4[%mul3A_47, %mul3A_2] : memref<20000x4096xf32, #tpu.memory_space<hbm>> -> memref<128x128xf32, #tpu.memory_space<hbm>>
      tpu.enqueue_dma source(%arg8 : memref<128x128xf32, #tpu.memory_space<vmem>>) target(%dma_start3A_49 : memref<128x128xf32, #tpu.memory_space<hbm>>) target_semaphore(%arg12 : memref<!tpu.dma_semaphore, #tpu.memory_space<semaphore_mem>>)
      %mul3A_50 = arith.constant 2 : i32
      %mul3A_51 = arith.muli %scan3A_20, %mul3A_50 : i32
      %add3A_52 = arith.constant 1 : i32
      %add3A_53 = arith.addi %mul3A_51, %add3A_52 : i32
      %add3A_54 = arith.constant 1 : i32
      %add3A_55 = arith.addi %add3A_53, %add3A_54 : i32
      %lt3A_56 = arith.constant 156 : i32
      %lt3A_57 = arith.cmpi slt, %add3A_55, %lt3A_56 : i32
      %convert_element_type3A_58 = arith.extui %lt3A_57 : i1 to i32
      %cond3A_59 = arith.constant 0 : i32
      %cond3A_60 = arith.cmpi ne, %convert_element_type3A_58, %cond3A_59 : i32
      scf.if %cond3A_60 {
        %mul3A_83 = arith.constant 128 : i32
        %mul3A_84 = arith.muli %add3A_53, %mul3A_83 : i32
        %dma_wait3A_85 = arith.constant 0 : i32
        %dma_wait3A_86 = tpu.memref_slice %arg5[%add3A, %dma_wait3A_85] : memref<32x128xi32, #tpu.memory_space<vmem>> -> memref<1x128xi32, #tpu.memory_space<vmem>>
        %dma_wait3A_87 = tpu.memref_squeeze %dma_wait3A_86 : memref<1x128xi32, #tpu.memory_space<vmem>> -> memref<128xi32, #tpu.memory_space<vmem>>
        %dma_wait3A_88 = arith.constant 0 : i32
        %dma_wait3A_89 = tpu.memref_slice %arg3[%dma_wait3A_88, %mul3A_84] : memref<1000x20000xf32, #tpu.memory_space<hbm>> -> memref<1000x128xf32, #tpu.memory_space<hbm>>
        tpu.wait_indirect_dma semaphore(%arg11 : memref<!tpu.dma_semaphore, #tpu.memory_space<semaphore_mem>>) src(%dma_wait3A_89 : memref<1000x128xf32, #tpu.memory_space<hbm>>) dst(%arg7 : memref<128x128xf32, #tpu.memory_space<vmem>>)
        %add3A_90 = arith.constant 1 : i32
        %add3A_91 = arith.addi %add3A_53, %add3A_90 : i32
        %mul3A_92 = arith.constant 128 : i32
        %mul3A_93 = arith.muli %add3A_91, %mul3A_92 : i32
        %dma_start3A_94 = arith.constant 0 : i32
        %dma_start3A_95 = tpu.memref_slice %arg5[%add3A, %dma_start3A_94] : memref<32x128xi32, #tpu.memory_space<vmem>> -> memref<1x128xi32, #tpu.memory_space<vmem>>
        %dma_start3A_96 = tpu.memref_squeeze %dma_start3A_95 : memref<1x128xi32, #tpu.memory_space<vmem>> -> memref<128xi32, #tpu.memory_space<vmem>>
        %dma_start3A_97 = arith.constant 0 : i32
        %dma_start3A_98 = tpu.memref_slice %arg3[%dma_start3A_97, %mul3A_93] : memref<1000x20000xf32, #tpu.memory_space<hbm>> -> memref<1000x128xf32, #tpu.memory_space<hbm>>
        tpu.enqueue_indirect_dma source(%dma_start3A_98 : memref<1000x128xf32, #tpu.memory_space<hbm>>) target(%arg6 : memref<128x128xf32, #tpu.memory_space<vmem>>) offsets(%dma_start3A_96 : memref<128xi32, #tpu.memory_space<vmem>>) semaphore(%arg10 : memref<!tpu.dma_semaphore, #tpu.memory_space<semaphore_mem>>)
      } else {
      }
      %add3A_61 = arith.constant 1 : i32
      %add3A_62 = arith.addi %add3A_53, %add3A_61 : i32
      %ge3A_63 = arith.constant 156 : i32
      %ge3A_64 = arith.cmpi sge, %add3A_62, %ge3A_63 : i32
      %convert_element_type3A_65 = arith.extui %ge3A_64 : i1 to i32
      %cond3A_66 = arith.constant 0 : i32
      %cond3A_67 = arith.cmpi ne, %convert_element_type3A_65, %cond3A_66 : i32
      scf.if %cond3A_67 {
        %mul3A_83 = arith.constant 128 : i32
        %mul3A_84 = arith.muli %add3A_53, %mul3A_83 : i32
        %dma_wait3A_85 = arith.constant 0 : i32
        %dma_wait3A_86 = tpu.memref_slice %arg5[%add3A, %dma_wait3A_85] : memref<32x128xi32, #tpu.memory_space<vmem>> -> memref<1x128xi32, #tpu.memory_space<vmem>>
        %dma_wait3A_87 = tpu.memref_squeeze %dma_wait3A_86 : memref<1x128xi32, #tpu.memory_space<vmem>> -> memref<128xi32, #tpu.memory_space<vmem>>
        %dma_wait3A_88 = arith.constant 0 : i32
        %dma_wait3A_89 = tpu.memref_slice %arg3[%dma_wait3A_88, %mul3A_84] : memref<1000x20000xf32, #tpu.memory_space<hbm>> -> memref<1000x128xf32, #tpu.memory_space<hbm>>
        tpu.wait_indirect_dma semaphore(%arg11 : memref<!tpu.dma_semaphore, #tpu.memory_space<semaphore_mem>>) src(%dma_wait3A_89 : memref<1000x128xf32, #tpu.memory_space<hbm>>) dst(%arg7 : memref<128x128xf32, #tpu.memory_space<vmem>>)
      } else {
      }
      %ge3A_68 = arith.constant 2 : i32
      %ge3A_69 = arith.cmpi sge, %add3A_53, %ge3A_68 : i32
      %convert_element_type3A_70 = arith.extui %ge3A_69 : i1 to i32
      %cond3A_71 = arith.constant 0 : i32
      %cond3A_72 = arith.cmpi ne, %convert_element_type3A_70, %cond3A_71 : i32
      scf.if %cond3A_72 {
        %sub3A = arith.constant 2 : i32
        %sub3A_83 = arith.subi %add3A_53, %sub3A : i32
        %mul3A_84 = arith.constant 128 : i32
        %mul3A_85 = arith.muli %sub3A_83, %mul3A_84 : i32
        %dma_wait3A_86 = tpu.memref_slice %arg4[%mul3A_85, %mul3A_2] : memref<20000x4096xf32, #tpu.memory_space<hbm>> -> memref<128x128xf32, #tpu.memory_space<hbm>>
        %dma_wait3A_87 = tpu.memref_slice %arg4[%mul3A_85, %mul3A_2] : memref<20000x4096xf32, #tpu.memory_space<hbm>> -> memref<128x128xf32, #tpu.memory_space<hbm>>
        tpu.wait_dma2 semaphore(%arg13 : memref<!tpu.dma_semaphore, #tpu.memory_space<semaphore_mem>>) src(%arg9 : memref<128x128xf32, #tpu.memory_space<vmem>>) dst(%dma_wait3A_87 : memref<128x128xf32, #tpu.memory_space<hbm>>)
      } else {
      }
      %scan3A_73 = arith.constant 0 : i32
      %scan3A_74 = arith.constant 0 : i32
      %scan3A_75 = arith.constant 128 : i32
      %scan3A_76 = arith.addi %scan3A_74, %scan3A_75 : i32
      %scan3A_77 = arith.constant 1 : i32
      scf.for %scan3A_83 = %scan3A_74 to %scan3A_76 step %scan3A_77  : i32 {
        %broadcast_in_dim3A = vector.broadcast %scan3A_83 : i32 to vector<16xi32>
        %add3A_84 = arith.constant 0 : i32
        %add3A_85 = vector.broadcast %add3A_84 : i32 to vector<16xi32>
        %add3A_86 = arith.addi %iota3A, %add3A_85 : vector<16xi32>
        %gather3A = tpu.vector_load_idx %arg7[%add3A_86, %broadcast_in_dim3A] : memref<128x128xf32, #tpu.memory_space<vmem>>[vector<16xi32>, vector<16xi32>], vector<16xf32>,
        %swap3A = arith.index_cast %scan3A_83 : i32 to index
        %swap3A_87 = arith.constant 0 : index
        %swap3A_88 = tpu.vector_load %arg9[%swap3A, %swap3A_87] {strides = array<i32>} : memref<128x128xf32, #tpu.memory_space<vmem>>, vector<16xf32>,
        tpu.vector_store %arg9[%swap3A, %swap3A_87], %gather3A {strides = array<i32>} : memref<128x128xf32, #tpu.memory_space<vmem>>, vector<16xf32>,
        %add3A_89 = arith.constant 16 : i32
        %add3A_90 = vector.broadcast %add3A_89 : i32 to vector<16xi32>
        %add3A_91 = arith.addi %iota3A, %add3A_90 : vector<16xi32>
        %gather3A_92 = tpu.vector_load_idx %arg7[%add3A_91, %broadcast_in_dim3A] : memref<128x128xf32, #tpu.memory_space<vmem>>[vector<16xi32>, vector<16xi32>], vector<16xf32>,
        %swap3A_93 = arith.index_cast %scan3A_83 : i32 to index
        %swap3A_94 = arith.constant 16 : index
        %swap3A_95 = tpu.vector_load %arg9[%swap3A_93, %swap3A_94] {strides = array<i32>} : memref<128x128xf32, #tpu.memory_space<vmem>>, vector<16xf32>,
        tpu.vector_store %arg9[%swap3A_93, %swap3A_94], %gather3A_92 {strides = array<i32>} : memref<128x128xf32, #tpu.memory_space<vmem>>, vector<16xf32>,
        %add3A_96 = arith.constant 32 : i32
        %add3A_97 = vector.broadcast %add3A_96 : i32 to vector<16xi32>
        %add3A_98 = arith.addi %iota3A, %add3A_97 : vector<16xi32>
        %gather3A_99 = tpu.vector_load_idx %arg7[%add3A_98, %broadcast_in_dim3A] : memref<128x128xf32, #tpu.memory_space<vmem>>[vector<16xi32>, vector<16xi32>], vector<16xf32>,
        %swap3A_100 = arith.index_cast %scan3A_83 : i32 to index
        %swap3A_101 = arith.constant 32 : index
        %swap3A_102 = tpu.vector_load %arg9[%swap3A_100, %swap3A_101] {strides = array<i32>} : memref<128x128xf32, #tpu.memory_space<vmem>>, vector<16xf32>,
        tpu.vector_store %arg9[%swap3A_100, %swap3A_101], %gather3A_99 {strides = array<i32>} : memref<128x128xf32, #tpu.memory_space<vmem>>, vector<16xf32>,
        %add3A_103 = arith.constant 48 : i32
        %add3A_104 = vector.broadcast %add3A_103 : i32 to vector<16xi32>
        %add3A_105 = arith.addi %iota3A, %add3A_104 : vector<16xi32>
        %gather3A_106 = tpu.vector_load_idx %arg7[%add3A_105, %broadcast_in_dim3A] : memref<128x128xf32, #tpu.memory_space<vmem>>[vector<16xi32>, vector<16xi32>], vector<16xf32>,
        %swap3A_107 = arith.index_cast %scan3A_83 : i32 to index
        %swap3A_108 = arith.constant 48 : index
        %swap3A_109 = tpu.vector_load %arg9[%swap3A_107, %swap3A_108] {strides = array<i32>} : memref<128x128xf32, #tpu.memory_space<vmem>>, vector<16xf32>,
        tpu.vector_store %arg9[%swap3A_107, %swap3A_108], %gather3A_106 {strides = array<i32>} : memref<128x128xf32, #tpu.memory_space<vmem>>, vector<16xf32>,
        %add3A_110 = arith.constant 64 : i32
        %add3A_111 = vector.broadcast %add3A_110 : i32 to vector<16xi32>
        %add3A_112 = arith.addi %iota3A, %add3A_111 : vector<16xi32>
        %gather3A_113 = tpu.vector_load_idx %arg7[%add3A_112, %broadcast_in_dim3A] : memref<128x128xf32, #tpu.memory_space<vmem>>[vector<16xi32>, vector<16xi32>], vector<16xf32>,
        %swap3A_114 = arith.index_cast %scan3A_83 : i32 to index
        %swap3A_115 = arith.constant 64 : index
        %swap3A_116 = tpu.vector_load %arg9[%swap3A_114, %swap3A_115] {strides = array<i32>} : memref<128x128xf32, #tpu.memory_space<vmem>>, vector<16xf32>,
        tpu.vector_store %arg9[%swap3A_114, %swap3A_115], %gather3A_113 {strides = array<i32>} : memref<128x128xf32, #tpu.memory_space<vmem>>, vector<16xf32>,
        %add3A_117 = arith.constant 80 : i32
        %add3A_118 = vector.broadcast %add3A_117 : i32 to vector<16xi32>
        %add3A_119 = arith.addi %iota3A, %add3A_118 : vector<16xi32>
        %gather3A_120 = tpu.vector_load_idx %arg7[%add3A_119, %broadcast_in_dim3A] : memref<128x128xf32, #tpu.memory_space<vmem>>[vector<16xi32>, vector<16xi32>], vector<16xf32>,
        %swap3A_121 = arith.index_cast %scan3A_83 : i32 to index
        %swap3A_122 = arith.constant 80 : index
        %swap3A_123 = tpu.vector_load %arg9[%swap3A_121, %swap3A_122] {strides = array<i32>} : memref<128x128xf32, #tpu.memory_space<vmem>>, vector<16xf32>,
        tpu.vector_store %arg9[%swap3A_121, %swap3A_122], %gather3A_120 {strides = array<i32>} : memref<128x128xf32, #tpu.memory_space<vmem>>, vector<16xf32>,
        %add3A_124 = arith.constant 96 : i32
        %add3A_125 = vector.broadcast %add3A_124 : i32 to vector<16xi32>
        %add3A_126 = arith.addi %iota3A, %add3A_125 : vector<16xi32>
        %gather3A_127 = tpu.vector_load_idx %arg7[%add3A_126, %broadcast_in_dim3A] : memref<128x128xf32, #tpu.memory_space<vmem>>[vector<16xi32>, vector<16xi32>], vector<16xf32>,
        %swap3A_128 = arith.index_cast %scan3A_83 : i32 to index
        %swap3A_129 = arith.constant 96 : index
        %swap3A_130 = tpu.vector_load %arg9[%swap3A_128, %swap3A_129] {strides = array<i32>} : memref<128x128xf32, #tpu.memory_space<vmem>>, vector<16xf32>,
        tpu.vector_store %arg9[%swap3A_128, %swap3A_129], %gather3A_127 {strides = array<i32>} : memref<128x128xf32, #tpu.memory_space<vmem>>, vector<16xf32>,
        %add3A_131 = arith.constant 112 : i32
        %add3A_132 = vector.broadcast %add3A_131 : i32 to vector<16xi32>
        %add3A_133 = arith.addi %iota3A, %add3A_132 : vector<16xi32>
        %gather3A_134 = tpu.vector_load_idx %arg7[%add3A_133, %broadcast_in_dim3A] : memref<128x128xf32, #tpu.memory_space<vmem>>[vector<16xi32>, vector<16xi32>], vector<16xf32>,
        %swap3A_135 = arith.index_cast %scan3A_83 : i32 to index
        %swap3A_136 = arith.constant 112 : index
        %swap3A_137 = tpu.vector_load %arg9[%swap3A_135, %swap3A_136] {strides = array<i32>} : memref<128x128xf32, #tpu.memory_space<vmem>>, vector<16xf32>,
        tpu.vector_store %arg9[%swap3A_135, %swap3A_136], %gather3A_134 {strides = array<i32>} : memref<128x128xf32, #tpu.memory_space<vmem>>, vector<16xf32>,
      }
      %scan3A_78 = arith.constant 128 : i32
      %mul3A_79 = arith.constant 128 : i32
      %mul3A_80 = arith.muli %add3A_53, %mul3A_79 : i32
      %dma_start3A_81 = tpu.memref_slice %arg4[%mul3A_80, %mul3A_2] : memref<20000x4096xf32, #tpu.memory_space<hbm>> -> memref<128x128xf32, #tpu.memory_space<hbm>>
      %dma_start3A_82 = tpu.memref_slice %arg4[%mul3A_80, %mul3A_2] : memref<20000x4096xf32, #tpu.memory_space<hbm>> -> memref<128x128xf32, #tpu.memory_space<hbm>>
      tpu.enqueue_dma source(%arg9 : memref<128x128xf32, #tpu.memory_space<vmem>>) target(%dma_start3A_82 : memref<128x128xf32, #tpu.memory_space<hbm>>) target_semaphore(%arg13 : memref<!tpu.dma_semaphore, #tpu.memory_space<semaphore_mem>>)
    }
    %scan3A_12 = arith.constant 78 : i32
    %dma_wait3A = arith.constant 19712 : i32
    %dma_wait3A_13 = tpu.memref_slice %arg4[%dma_wait3A, %mul3A_2] : memref<20000x4096xf32, #tpu.memory_space<hbm>> -> memref<128x128xf32, #tpu.memory_space<hbm>>
    %dma_wait3A_14 = arith.constant 19712 : i32
    %dma_wait3A_15 = tpu.memref_slice %arg4[%dma_wait3A_14, %mul3A_2] : memref<20000x4096xf32, #tpu.memory_space<hbm>> -> memref<128x128xf32, #tpu.memory_space<hbm>>
    tpu.wait_dma2 semaphore(%arg12 : memref<!tpu.dma_semaphore, #tpu.memory_space<semaphore_mem>>) src(%arg8 : memref<128x128xf32, #tpu.memory_space<vmem>>) dst(%dma_wait3A_15 : memref<128x128xf32, #tpu.memory_space<hbm>>)
    %dma_wait3A_16 = arith.constant 19840 : i32
    %dma_wait3A_17 = tpu.memref_slice %arg4[%dma_wait3A_16, %mul3A_2] : memref<20000x4096xf32, #tpu.memory_space<hbm>> -> memref<128x128xf32, #tpu.memory_space<hbm>>
    %dma_wait3A_18 = arith.constant 19840 : i32
    %dma_wait3A_19 = tpu.memref_slice %arg4[%dma_wait3A_18, %mul3A_2] : memref<20000x4096xf32, #tpu.memory_space<hbm>> -> memref<128x128xf32, #tpu.memory_space<hbm>>
    tpu.wait_dma2 semaphore(%arg13 : memref<!tpu.dma_semaphore, #tpu.memory_space<semaphore_mem>>) src(%arg9 : memref<128x128xf32, #tpu.memory_space<vmem>>) dst(%dma_wait3A_19 : memref<128x128xf32, #tpu.memory_space<hbm>>)
    return
  }
}

module attributes {stable_mosaic.version = 14 : i64} {
  func.func @tail_kernel(%arg0: i32, %arg1: memref<1x4096xi32, #tpu.memory_space<vmem>>, %arg2: memref<1000x128xf32, #tpu.memory_space<vmem>>, %arg3: memref<20000x4096xf32, #tpu.memory_space<any>>, %arg4: memref<32x4096xf32, #tpu.memory_space<vmem>>) attributes {dimension_semantics = [#tpu.dimension_semantics<arbitrary>], iteration_bounds = array<i64: 1>, scalar_prefetch = 0 : i64, scratch_operands = 0 : i64, tpu.core_type = #tpu.core_type<tc>, window_params = [{pipeline_mode = #tpu.pipeline_mode<synchronous>, transform_indices = @transform_0, window_bounds = array<i64: 1, 4096>}, {transform_indices = @transform_1, window_bounds = array<i64: 1000, 128>}, {}, {transform_indices = @transform_3, window_bounds = array<i64: 32, 4096>}]} {
    %iota3A = tpu.iota {dimensions = array<i32: 0>} : vector<1000x4096xi32>
    %get3A = arith.constant 0 : index
    %get3A_0 = arith.constant 0 : index
    %get3A_1 = vector.load %arg1[%get3A, %get3A_0] : memref<1x4096xi32, #tpu.memory_space<vmem>>, vector<1x4096xi32>
    %eq3A = vector.broadcast %get3A_1 : vector<1x4096xi32> to vector<1000x4096xi32>
    %eq3A_2 = arith.cmpi eq, %iota3A, %eq3A : vector<1000x4096xi32>
    %convert_element_type3A = arith.extui %eq3A_2 : vector<1000x4096xi1> to vector<1000x4096xi32>
    %convert_element_type3A_3 = arith.sitofp %convert_element_type3A : vector<1000x4096xi32> to vector<1000x4096xf32>
    %get3A_4 = arith.constant 0 : index
    %get3A_5 = arith.constant 0 : index
    %get3A_6 = vector.load %arg2[%get3A_4, %get3A_5] : memref<1000x128xf32, #tpu.memory_space<vmem>>, vector<1000x128xf32>
    %dot_general3A = arith.constant dense<0.000000e+00> : vector<128x4096xf32>
    %dot_general3A_7 = tpu.matmul %get3A_6, %convert_element_type3A_3, %dot_general3A {dimension_numbers = #tpu.dot_dimension_numbers<[0], [0], [1], [1], [0, 1, 1, 1], [], []>, precision = #tpu.contract_precision<fp32>, transpose_lhs_hint = false} : vector<1000x128xf32>, vector<1000x4096xf32>, vector<128x4096xf32> -> vector<128x4096xf32>
    %slice3A = vector.extract_strided_slice %dot_general3A_7 {offsets = [0, 0], sizes = [32, 4096], strides = [1, 1]} : vector<128x4096xf32> to vector<32x4096xf32>
    %swap3A = arith.constant 0 : index
    %swap3A_8 = arith.constant 0 : index
    %swap3A_9 = vector.load %arg4[%swap3A, %swap3A_8] : memref<32x4096xf32, #tpu.memory_space<vmem>>, vector<32x4096xf32>
    tpu.vector_store %arg4[%swap3A, %swap3A_8], %slice3A {strides = array<i32>} : memref<32x4096xf32, #tpu.memory_space<vmem>>, vector<32x4096xf32>,
    return
  }
  func.func @transform_0(%arg0: i32) -> (i32, i32) {
    %c0_i32 = arith.constant 0 : i32
    %c0_i32_0 = arith.constant 0 : i32
    %c0_i32_1 = arith.constant 0 : i32
    return %c0_i32, %c0_i32_0 : i32, i32
  }
  func.func @transform_1(%arg0: i32) -> (i32, i32) {
    %c0_i32 = arith.constant 0 : i32
    %c156_i32 = arith.constant 156 : i32
    %c0_i32_0 = arith.constant 0 : i32
    return %c0_i32, %c156_i32 : i32, i32
  }
  func.func @transform_3(%arg0: i32) -> (i32, i32) {
    %c624_i32 = arith.constant 624 : i32
    %c0_i32 = arith.constant 0 : i32
    %c0_i32_0 = arith.constant 0 : i32
    return %c624_i32, %c0_i32 : i32, i32
  }
}

</mosaic_0001>

<sc_bundles>
// kernel: kernel.4.cloned.1.call-start
scs
__scs_entry_jumppad:
0x0: {  	(pc) =	sbr.rel $0x88, $3  }
0x1: {  	(tag) =	ssettag $0x0;
	lr =	simm.s32 $0x1  }
0x2: {  	[smem:$0x3F9F] =	sst lr;
	_ =	strace $0xD0000000  }
0x3: {  	_ = 	snop  }
0x4: {  	_ = 	snop  }
0x5: {  	_ = 	snop  }
0x6: {  	_ = 	snop  }
0x7: {  	_ = 	snop  }
__scs_overlays_trampoline_lowered:
0x8: {  	[smem:$0x3FAE] =	sst s0  }
0x9: {  	[smem:$0x3FAF] =	sst s1  }
0xa: {  	[smem:$0x3FB0] =	sst s2  }
0xb: {  	[smem:$0x3FB1] =	sst s3  }
0xc: {  	[smem:$0x3FB2] =	sst s4  }
0xd: {  	[smem:$0x3FB3] =	sst s5  }
0xe: {  	[smem:$0x3FB4] =	sst s6  }
0xf: {  	[smem:$0x3FB5] =	sst s7  }
0x10: {  	[smem:$0x3FB6] =	sst s8  }
0x11: {  	[smem:$0x3FB7] =	sst s9;
	s0 =	simm.s32 @!p0 $0x0  }
0x12: {  	s1 =	sld [smem:$0x3F9D];
	s0 =	simm.s32 @p0 $0x1  }
0x13: {  	[smem:$0x3FB8] =	sst s0;
	s0 =	simm.s32 @!p1 $0x0  }
0x14: {  	s2 =	sld [smem:$0x3F9C];
	s0 =	simm.s32 @p1 $0x1  }
0x15: {  	[smem:$0x3FB9] =	sst s0;
	s0 =	simm.s32 @!p2 $0x0  }
0x16: {  	s3 =	sld [smem:$0x3FDB];
	s0 =	simm.s32 @p2 $0x1  }
0x17: {  	s4 =	simm.s32 $0x1BF5;
	[smem:$0x3FBB] =	sst s0  }
0x18: {  	s0 =	sld [smem:$0x3F9E];
	_ =	swait.ge [sflag:s4], $0x0  }
0x19: {  	s7 =	sld [smem:$0x3F9F]  }
0x1a: {  	s8 =	sadd.s32 $0xFFFFE003, lr  }
0x1b: {  	s9 =	sadd.s32 $0xFFFFFEF7, lr;
	s5 =	simm.s32 $0xFFFFFFFF;
	p2 =	slt.u32 s8, $0xFFFFF086  }
0x1c: {  	p1 =	slt.u32 s9, $0xF7A;
	s5 =	simm.s32 @!p2 $0x0  }
0x1d: {  	s5 =	simm.s32 @p1 $0x1;
	p0 =	seq.s32 s7, s2  }
0x1e: {  	s7 =	smul.u32 @!p0 $0xF7A, s2;
	p2 =	seq.s32 @!p0 s5, $0x0  }
0x1f: {  	s9 =	smul.u32 $0xF7A, s1;
	s8 =	simm.s32 @!p0 $0x1BF5;
	p2 =	por !p2, p0  }
0x20: {  	[sflag:s8] =	ssyncset.s32 @!p0 $0xFFFFF086;
	s6 =	sadd.s32 @!p0 s3, s7;
	s7 =	simm.s32 @!p0 $0x108  }
0x21: {  	s3 =	sadd.s32 s3, s9;
	s6 =	sadd.s32 @!p0 $0x88, s6;
	s7 =	simm.s32 @p2 $0x1082  }
0x22: {  	[simem:s7], [sflag:s8] =	dma.local @!p0 [hbm:s6], $0xF7A  }
0x23: {  	s9 =	sor.u32 $0xD0000000, s2;
	s6 =	simm.s32 $0x108;
	_ =	swait.ge @!p0 [sflag:s8], $0x0  }
0x24: {  	s3 =	sadd.s32 $0x88, s3;
	s6 =	simm.s32 @!p1 $0x1082;
	[sflag:s4] =	ssyncset.s32 $0xFFFFF086  }
0x25: {  	[simem:s6], [sflag:s4] =	dma.local [hbm:s3], $0xF7A  }
0x26: {  	[smem:$0x3F9F] =	sst s1;
	(tag) =	ssettag s2;
	_ =	strace s9  }
0x27: {  	s1 =	sld [smem:$0x3FAF]  }
0x28: {  	s2 =	sld [smem:$0x3FB0]  }
0x29: {  	s4 =	sld [smem:$0x3FB2]  }
0x2a: {  	p0 =	seq.s32 s5, $0x0;
	s5 =	sld [smem:$0x3FB3]  }
0x2b: {  	s6 =	sld [smem:$0x3FB4]  }
0x2c: {  	s7 =	sld [smem:$0x3FB5]  }
0x2d: {  	s3 =	simm.s32 $0x108;
	s8 =	sld [smem:$0x3FB6]  }
0x2e: {  	s3 =	simm.s32 @!p0 $0x1082;
	s9 =	sld [smem:$0x3FB7]  }
0x2f: {  	lr =	sadd.s32 s0, s3;
	s0 =	sld [smem:$0x3FAE]  }
0x30: {  	s3 =	sld [smem:$0x3FB1]  }
0x31: {  	[smem:$0x3FBA] =	sst s10  }
0x32: {  	s10 =	sld [smem:$0x3FB8];
	_ =	sdelay $0x3  }
0x33: {  	p0 =	seq.s32 s10, $0x1;
	s10 =	sld [smem:$0x3FBA];
	_ =	sdelay $0x3  }
0x34: {  	[smem:$0x3FBA] =	sst s10  }
0x35: {  	s10 =	sld [smem:$0x3FB9];
	_ =	sdelay $0x3  }
0x36: {  	p1 =	seq.s32 s10, $0x1;
	s10 =	sld [smem:$0x3FBA];
	_ =	sdelay $0x3  }
0x37: {  	[smem:$0x3FBA] =	sst s10  }
0x38: {  	s10 =	sld [smem:$0x3FBB]  }
0x39: {  	_ = 	snop;
	(pc) =	sbr.ind lr, $3  }
0x3a: {  	_ = 	snop  }
0x3b: {  	_ = 	snop  }
0x3c: {  	p2 =	seq.s32 s10, $0x1;
	s10 =	sld [smem:$0x3FBA]  }
0x3d: {  	_ =	shalt  }
0x3e: {  	_ =	shalt  }
0x3f: {  	_ =	shalt  }
0x40: {  	_ =	shalt  }
0x41: {  	_ =	shalt  }
0x42: {  	_ =	shalt  }
0x43: {  	_ =	shalt  }
0x44: {  	_ =	shalt  }
0x45: {  	_ =	shalt  }
0x46: {  	_ =	shalt  }
0x47: {  	_ =	shalt  }
0x48: {  	_ =	shalt  }
0x49: {  	_ =	shalt  }
0x4a: {  	_ =	shalt  }
0x4b: {  	_ =	shalt  }
0x4c: {  	_ =	shalt  }
0x4d: {  	_ =	shalt  }
0x4e: {  	_ =	shalt  }
0x4f: {  	_ =	shalt  }
0x50: {  	_ =	shalt  }
0x51: {  	_ =	shalt  }
0x52: {  	_ =	shalt  }
0x53: {  	_ =	shalt  }
0x54: {  	_ =	shalt  }
0x55: {  	_ =	shalt  }
0x56: {  	_ =	shalt  }
0x57: {  	_ =	shalt  }
0x58: {  	_ =	shalt  }
0x59: {  	_ =	shalt  }
0x5a: {  	_ =	shalt  }
0x5b: {  	_ =	shalt  }
0x5c: {  	_ =	shalt  }
0x5d: {  	_ =	shalt  }
0x5e: {  	_ =	shalt  }
0x5f: {  	_ =	shalt  }
0x60: {  	_ =	shalt  }
0x61: {  	_ =	shalt  }
0x62: {  	_ =	shalt  }
0x63: {  	_ =	shalt  }
0x64: {  	_ =	shalt  }
0x65: {  	_ =	shalt  }
0x66: {  	_ =	shalt  }
0x67: {  	_ =	shalt  }
0x68: {  	_ =	shalt  }
0x69: {  	_ =	shalt  }
0x6a: {  	_ =	shalt  }
0x6b: {  	_ =	shalt  }
0x6c: {  	_ =	shalt  }
0x6d: {  	_ =	shalt  }
0x6e: {  	_ =	shalt  }
0x6f: {  	_ =	shalt  }
0x70: {  	_ =	shalt  }
0x71: {  	_ =	shalt  }
0x72: {  	_ =	shalt  }
0x73: {  	_ =	shalt  }
0x74: {  	_ =	shalt  }
0x75: {  	_ =	shalt  }
0x76: {  	_ =	shalt  }
0x77: {  	_ =	shalt  }
0x78: {  	_ =	shalt  }
0x79: {  	_ =	shalt  }
0x7a: {  	_ =	shalt  }
0x7b: {  	_ =	shalt  }
0x7c: {  	_ =	shalt  }
0x7d: {  	_ =	shalt  }
0x7e: {  	_ =	shalt  }
0x7f: {  	_ =	shalt  }
0x80: {  	_ =	shalt  }
0x81: {  	_ =	shalt  }
0x82: {  	_ =	shalt  }
0x83: {  	_ =	shalt  }
0x84: {  	_ =	shalt  }
0x85: {  	_ =	shalt  }
0x86: {  	_ =	shalt  }
0x87: {  	_ =	shalt  }
.Lfunc_end0:
.L_simem_size_0:
called_computation_lowered:
.L_overlay_start_0:
0x88: {  	s2 =	sld [smem:$0x3FD9]  }
0x89: {  	s3 =	sld [smem:$0x3FFE];
	_ =	sdelay $0x1  }
0x8a: {  	s1 =	srdreg.scid  }
0x8b: {  	s0 =	sand.u32 $0x1, s1  }
0x8c: {  	s18 =	sshll.u32 s0, $0xA;
	s2 =	sadd.s32 s3, s2  }
0x8d: {  	s2 =	sadd.s32 s2, s18  }
0x8e: {  	[smem:$0x3FC6] =	sst s2  }
0x8f: {  	_ = 	snop  }
0x90: {  	s2 =	sld [smem:$0x3FC9]  }
0x91: {  	s19 =	sld [smem:$0x3FC8]  }
0x92: {  	s4 =	sld [smem:$0x3FD0];
	(tm) =	ssettm $0x1  }
0x93: {  	s5 =	sld [smem:$0x3FFB];
	_ =	sdelay $0x3  }
0x94: {  	_ =	strace s5  }
0x95: {  	s5 =	sld [smem:$0x3FFC];
	_ =	sdelay $0x3  }
0x96: {  	_ =	strace s5  }
0x97: {  	s5 =	sld [smem:$0x3FFD];
	_ =	sdelay $0x3  }
0x98: {  	_ =	strace s5  }
0x99: {  	_ =	strace $0x8FFFFFFF  }
0x9a: {  	s20 =	sld [smem:$0x3FDB];
	_ =	sdelay $0x1  }
0x9b: {  	s6 =	simm.s32 $_scs_section_size  }
0x9c: {  	s7 =	simm.s32 $_size__tile_overlayer_lowered;
	s8 =	simm.s32 $_tile_overlayer_lowered  }
0x9d: {  	s23 =	simm.s32 $0x1BFF;
	s22 =	sshll.u32 s8, $0x1;
	s5 =	sadd.s32 s6, s20  }
0x9e: {  	s9 =	simm.s32 $0x0;
	s21 =	sshll.u32 s7, $0x1;
	s7 =	sadd.s32 s22, s5  }
0x9f: {  	[timem:s9], [sflag:s23] =	dma.local [hbm:s7], s21  }
0xa0: {  	_ =	swait.ge [sflag:s23], s21  }
0xa1: {  	s6 =	ssub.s32 $0x0, s21;
	[sflag:s23] =	ssyncset.done $0x0  }
0xa2: {  	[sflag:s23] =	ssyncadd.s32 s6;
	_ =	sdelay $0x1  }
0xa3: {  	s24 =	simm.s32 $0x1B8B  }
0xa4: {  	_ =	swait.ge [sflag:s24], $0x1  }
0xa5: {  	[sflag:s24] =	ssyncset.done $0x0  }
0xa6: {  	s25 =	simm.s32 $0x1B8E;
	[sflag:s24] =	ssyncadd.s32 $0xFFFFFFFF  }
0xa7: {  	s26 =	simm.s32 $execute0_lowered;
	[smem:$0x3FD2] =	sst s25  }
0xa8: {  	s6 =	sshll.u32 s26, $0x1;
	_ =	strace $0x80000046;
	[dreg:$0x1] =	wrdreg $0xFFFFFFFF  }
0xa9: {  	s28 =	simm.s32 $_size_execute0_lowered;
	s5 =	sadd.s32 s5, s6;
	[dreg:$0x0] =	wrdreg $0x0  }
0xaa: {  	s6 =	sshll.u32 s28, $0x1;
	[dreg:$0x2] =	wrdreg s5  }
0xab: {  	[dreg:$0x3] =	wrdreg s6  }
0xac: {  	[dreg:$0x4] =	wrdreg $0xC0  }
0xad: {  	_ =	task [dreg:s9], $0x5FFFF  }
0xae: {  	[dreg:$0x1] =	wrdreg $0xFFFFFFFF  }
0xaf: {  	[dreg:$0x0] =	wrdreg $0x60  }
0xb0: {  	[dreg:$0x2] =	wrdreg s2  }
0xb1: {  	[dreg:$0x3] =	wrdreg s19  }
0xb2: {  	[dreg:$0x4] =	wrdreg s4  }
0xb3: {  	[dreg:$0x5] =	wrdreg $0x9  }
0xb4: {  	_ =	task.clear_ibuf [dreg:s9], $0x6FFFF;
	_ =	strace $0x90000046  }
0xb5: {  	s29 =	simm.s32 $0x9;
	_ =	strace $0x80000048  }
0xb6: {  	_ =	swait.ge [sflag:s29], $0x1  }
0xb7: {  	[sflag:s29] =	ssyncadd.s32 $0xFFFFFFFF  }
0xb8: {  	_ =	strace $0x90000048  }
0xb9: {  	_ =	sfence  }
0xba: {  	s30 =	sld [smem:$0x0];
	_ =	sdelay $0x2  }
0xbb: {  	s31 =	sshll.u32 s1, $0xD;
	s1 =	sshrl.u32 s1, $0x2  }
0xbc: {  	s3 =	sand.u32 $0x4000, s31;
	s1 =	sadd.s32 s1, s30  }
0xbd: {  	s0 =	sor.u32 s3, s0;
	s1 =	sshll.u32 s1, $0x11  }
0xbe: {  	s0 =	sor.u32 s1, s0  }
0xbf: {  	s0 =	sadd.s32 $0x8F2B, s0  }
0xc0: {  	[sflag:s0] =	ssyncadd.remote.s32 $0x1  }
0xc1: {  	_ =	sfence.sel $0xFFFF  }
0xc2: {  	[dreg:$0x0] =	wrdreg $0xFFFFFFFF;
	(pc) =	sbr.abs _section_cstart, $3  }
0xc3: {  	[dreg:$0x1] =	wrdreg $0xFFFFFFFF  }
0xc4: {  	_ =	task.clear_ibuf [dreg:s9], $0x2FFFF;
	_ =	strace $0x9FFFFFFF  }
0xc5: {  	(tm) =	ssettm $0x7FFFFFFF  }
tec
execute0_lowered:
.L_overlay_start_1:
0x0: {  	(tag) =	ssettag $0x1  }
0x1: {  	s2 =	rddreg [dreg:$0x1]  }
0x2: {  	s0 =	rddreg [dreg:$0x2];
	s1 =	srdreg.scid;
	s4 =	simm.s32 $0x0  }
0x3: {  	s5 =	stileid.u32;
	s10 =	simm.s32 $0x1000;
	s13 =	simm.s32 $0x1  }
0x4: {  	s14 =	simm.s32 $0x5000;
	s7 =	simm.s32 $0x8000;
	s8 =	simm.s32 $0x9000  }
0x5: {  	s9 =	simm.s32 $0x2;
	s11 =	simm.s32 $0x8F80;
	s12 =	simm.s32 $0x4  }
0x6: {  	s15 =	simm.s32 $0x8F00;
	s16 =	simm.s32 $0x8900;
	s17 =	simm.s32 $0x8E80  }
0x7: {  	v0 =	vimm.s32 $0x3;
	v1 =	vimm.s32 $0x7;
	v12 =	vlaneseq.u32;
	s18 =	simm.s32 $0x8B00;
	s19 =	simm.s32 $0x8D80;
	s20 =	simm.s32 $0x8D00  }
0x8: {  	v2 =	vimm.s32 $0x0;
	vm0 =	vmmov $0x1;
	v4 =	vimm.s32 $0x1;
	s21 =	simm.s32 $0x8B80;
	s22 =	simm.s32 $0x8C80;
	s23 =	simm.s32 $0x8C00  }
0x9: {  	v5 =	vimm.s32 $0x2;
	v6 =	vimm.s32 $0x4;
	v7 =	vimm.s32 $0x5;
	s24 =	simm.s32 $0x8A80;
	s25 =	simm.s32 $0x8A00;
	s28 =	simm.s32 $0xD000  }
0xa: {  	v8 =	vimm.s32 $0x6;
	v9 =	vimm.s32 $0x8;
	v10 =	vimm.s32 $0x9;
	s29 =	simm.s32 $0x0;
	s1 =	sand.u32 $0x1, s1;
	s5 =	sshll.u32 s5, $0x8  }
0xb: {  	v11 =	vimm.s32 $0xA;
	[smem:$0x7FF] =	sst s4;
	s30 =	sadd.s32 $0x100, s2;
	v3 =	vmul.u32 $0x8, v12;
	v12 =	vmul.u32 $0x80, v12;
	s3 =	ssub.s32 $0x2, s1  }
0xc: {  	v13 =	vimm.s32 $0xB;
	v14 =	vimm.s32 $0xC;
	v15 =	vimm.s32 $0xD;
	s1 =	sshll.u32 s1, $0x7;
	_ =	strace $0x80000047;
	s6 =	sshrl.u32 s3, $0x1  }
0xd: {  	v16 =	vimm.s32 $0xE;
	v17 =	vimm.s32 $0xF;
	[dreg:$0x4] =	wrdreg s30;
	s5 =	sor.u32 s1, s5;
	v18 =	vor.u32 $0x800, v12;
	s26 =	ssub.s32 s3, s6  }
0xe: {  	s1 =	simm.s32 $0x400;
	v19 =	vor.u32 $0x1000, v12;
	v20 =	vor.u32 $0x1800, v12;
	v21 =	vor.u32 $0x2000, v12;
	s6 =	sadd.s32 s0, s5;
	s31 =	smax.u32 s26, $0x1  }
0xf: {  	v22 =	vor.u32 $0x2800, v12;
	v23 =	vor.u32 $0x3000, v12;
	v24 =	vor.u32 $0x3800, v12;
	s3 =	simm.s32 $0x8880;
	s26 =	simm.s32 $0x8980;
	[dreg:$0x5] =	wrdreg s31  }
.LBB2_1:
0x10: {  	[dreg:$0x6] =	wrdreg s29  }
0x11: {  	s0 =	rddreg [dreg:$0x0];
	s30 =	simm.s32 $0x5  }
0x12: {  	[tilespmem:s4], [sflag:$0x5] =	stream.linear.gather [hbm4b:s0+s4], $0x1000, $0x38;
	[tilespmem:$0x11000] =	vst v63  }
0x13: {  	_ =	swait.ge [sflag:s30], $0x1000  }
0x14: {  	[sflag:s30] =	ssyncset.done $0x0  }
0x15: {  	[sflag:s30] =	ssyncadd.s32 $0xFFFFF000  }
0x16: {  	v25 =	vld [tilespmem:s5+$0x0];
	_ =	sdelay $0x4  }
0x17: {  	v26 =	vshrl.u32 v25, $0x3  }
0x18: {  	v26 =	vmul.u32 $0x4E8, v26  }
0x19: {  	v25 =	vand.u32 $0x7, v25  }
0x1a: {  	v25 =	vor.u32 v25, v26  }
0x1b: {  	v26 =	vperm.xlane v25, v2;
	_ =	sdelay $0x1  }
0x1c: {  	v27 =	vperm.xlane v25, v4;
	v26 =	vadd.s32 v3, v26;
	_ =	sdelay $0x1  }
0x1d: {  	v28 =	vperm.xlane v25, v5;
	v27 =	vadd.s32 v3, v27;
	_ =	sdelay $0x1  }
0x1e: {  	v29 =	vperm.xlane v25, v0;
	v28 =	vadd.s32 v3, v28  }
0x1f: {  	[tilespmem:s10], [sflag:$0x1] =	stream.indirect_vreg.gather [hbm4b:s2+s4], $0x80, v26, vm0, $0xb8;
	[tilespmem:$0x11000] =	vst v63  }
0x20: {  	s31 =	simm.s32 $0x1080;
	v58 =	vperm.xlane v25, v6;
	v26 =	vadd.s32 v3, v29  }
0x21: {  	[tilespmem:s31], [sflag:$0x1] =	stream.indirect_vreg.gather [hbm4b:s2+s4], $0x80, v27, vm0, $0xb8;
	[tilespmem:$0x11000] =	vst v63  }
0x22: {  	s30 =	simm.s32 $0x1100;
	v59 =	vperm.xlane v25, v7;
	v27 =	vadd.s32 v3, v58  }
0x23: {  	[tilespmem:s30], [sflag:$0x1] =	stream.indirect_vreg.gather [hbm4b:s2+s4], $0x80, v28, vm0, $0xb8;
	[tilespmem:$0x11000] =	vst v63  }
0x24: {  	v61 =	vperm.xlane v25, v8;
	v60 =	vadd.s32 v3, v59;
	s31 =	simm.s32 $0x1180  }
0x25: {  	[tilespmem:s31], [sflag:$0x1] =	stream.indirect_vreg.gather [hbm4b:s2+s4], $0x80, v26, vm0, $0xb8;
	[tilespmem:$0x11000] =	vst v63  }
0x26: {  	v62 =	vperm.xlane v25, v1;
	s30 =	simm.s32 $0x1200;
	v26 =	vadd.s32 v3, v61  }
0x27: {  	[tilespmem:s30], [sflag:$0x1] =	stream.indirect_vreg.gather [hbm4b:s2+s4], $0x80, v27, vm0, $0xb8;
	[tilespmem:$0x11000] =	vst v63  }
0x28: {  	v63 =	vperm.xlane v25, v9;
	s31 =	simm.s32 $0x1280;
	v27 =	vadd.s32 v3, v62  }
0x29: {  	[tilespmem:s31], [sflag:$0x1] =	stream.indirect_vreg.gather [hbm4b:s2+s4], $0x80, v60, vm0, $0xb8;
	[tilespmem:$0x11000] =	vst v63  }
0x2a: {  	v33 =	vperm.xlane v25, v10;
	v32 =	vadd.s32 v3, v63;
	s30 =	simm.s32 $0x1300  }
0x2b: {  	[tilespmem:s30], [sflag:$0x1] =	stream.indirect_vreg.gather [hbm4b:s2+s4], $0x80, v26, vm0, $0xb8;
	[tilespmem:$0x11000] =	vst v63  }
0x2c: {  	v34 =	vperm.xlane v25, v11;
	s31 =	simm.s32 $0x1380;
	v26 =	vadd.s32 v3, v33  }
0x2d: {  	[tilespmem:s31], [sflag:$0x1] =	stream.indirect_vreg.gather [hbm4b:s2+s4], $0x80, v27, vm0, $0xb8;
	[tilespmem:$0x11000] =	vst v63  }
0x2e: {  	v35 =	vperm.xlane v25, v13;
	s30 =	simm.s32 $0x1400;
	v27 =	vadd.s32 v3, v34  }
0x2f: {  	[tilespmem:s30], [sflag:$0x1] =	stream.indirect_vreg.gather [hbm4b:s2+s4], $0x80, v32, vm0, $0xb8;
	[tilespmem:$0x11000] =	vst v63  }
0x30: {  	v37 =	vperm.xlane v25, v14;
	v36 =	vadd.s32 v3, v35;
	s31 =	simm.s32 $0x1480  }
0x31: {  	[tilespmem:s31], [sflag:$0x1] =	stream.indirect_vreg.gather [hbm4b:s2+s4], $0x80, v26, vm0, $0xb8;
	[tilespmem:$0x11000] =	vst v63  }
0x32: {  	v38 =	vperm.xlane v25, v15;
	s30 =	simm.s32 $0x1500;
	v26 =	vadd.s32 v3, v37  }
0x33: {  	[tilespmem:s30], [sflag:$0x1] =	stream.indirect_vreg.gather [hbm4b:s2+s4], $0x80, v27, vm0, $0xb8;
	[tilespmem:$0x11000] =	vst v63  }
0x34: {  	v39 =	vperm.xlane v25, v16;
	s31 =	simm.s32 $0x1580;
	v27 =	vadd.s32 v3, v38  }
0x35: {  	[tilespmem:s31], [sflag:$0x1] =	stream.indirect_vreg.gather [hbm4b:s2+s4], $0x80, v36, vm0, $0xb8;
	[tilespmem:$0x11000] =	vst v63  }
0x36: {  	v25 =	vperm.xlane v25, v17;
	v40 =	vadd.s32 v3, v39;
	s30 =	simm.s32 $0x1600  }
0x37: {  	[tilespmem:s30], [sflag:$0x1] =	stream.indirect_vreg.gather [hbm4b:s2+s4], $0x80, v26, vm0, $0xb8;
	[tilespmem:$0x11000] =	vst v63  }
0x38: {  	v25 =	vadd.s32 v3, v25;
	s31 =	simm.s32 $0x1680  }
0x39: {  	[tilespmem:s31], [sflag:$0x1] =	stream.indirect_vreg.gather [hbm4b:s2+s4], $0x80, v27, vm0, $0xb8;
	[tilespmem:$0x11000] =	vst v63  }
0x3a: {  	s30 =	simm.s32 $0x1700  }
0x3b: {  	[tilespmem:s30], [sflag:$0x1] =	stream.indirect_vreg.gather [hbm4b:s2+s4], $0x80, v40, vm0, $0xb8;
	[tilespmem:$0x11000] =	vst v63  }
0x3c: {  	s31 =	simm.s32 $0x1780  }
0x3d: {  	[tilespmem:s31], [sflag:$0x1] =	stream.indirect_vreg.gather [hbm4b:s2+s4], $0x80, v25, vm0, $0xb8;
	[tilespmem:$0x11000] =	vst v63  }
0x3e: {  	v25 =	vld [tilespmem:s5+$0x10];
	_ =	sdelay $0x4  }
0x3f: {  	v26 =	vshrl.u32 v25, $0x3  }
0x40: {  	v26 =	vmul.u32 $0x4E8, v26  }
0x41: {  	v25 =	vand.u32 $0x7, v25  }
0x42: {  	v25 =	vor.u32 v25, v26  }
0x43: {  	v26 =	vperm.xlane v25, v2;
	_ =	sdelay $0x1  }
0x44: {  	v27 =	vperm.xlane v25, v4;
	v26 =	vadd.s32 v3, v26;
	_ =	sdelay $0x1  }
0x45: {  	v41 =	vperm.xlane v25, v5;
	v27 =	vadd.s32 v3, v27;
	_ =	sdelay $0x1  }
0x46: {  	s30 =	simm.s32 $0x1800;
	v42 =	vperm.xlane v25, v0;
	v28 =	vadd.s32 v3, v41  }
0x47: {  	[tilespmem:s30], [sflag:$0x1] =	stream.indirect_vreg.gather [hbm4b:s2+s4], $0x80, v26, vm0, $0xb8;
	[tilespmem:$0x11000] =	vst v63  }
0x48: {  	s31 =	simm.s32 $0x1880;
	v43 =	vperm.xlane v25, v6;
	v26 =	vadd.s32 v3, v42  }
0x49: {  	[tilespmem:s31], [sflag:$0x1] =	stream.indirect_vreg.gather [hbm4b:s2+s4], $0x80, v27, vm0, $0xb8;
	[tilespmem:$0x11000] =	vst v63  }
0x4a: {  	v44 =	vperm.xlane v25, v7;
	s30 =	simm.s32 $0x1900;
	v27 =	vadd.s32 v3, v43  }
0x4b: {  	[tilespmem:s30], [sflag:$0x1] =	stream.indirect_vreg.gather [hbm4b:s2+s4], $0x80, v28, vm0, $0xb8;
	[tilespmem:$0x11000] =	vst v63  }
0x4c: {  	v46 =	vperm.xlane v25, v8;
	v45 =	vadd.s32 v3, v44;
	s31 =	simm.s32 $0x1980  }
0x4d: {  	[tilespmem:s31], [sflag:$0x1] =	stream.indirect_vreg.gather [hbm4b:s2+s4], $0x80, v26, vm0, $0xb8;
	[tilespmem:$0x11000] =	vst v63  }
0x4e: {  	v47 =	vperm.xlane v25, v1;
	s30 =	simm.s32 $0x1A00;
	v26 =	vadd.s32 v3, v46  }
0x4f: {  	[tilespmem:s30], [sflag:$0x1] =	stream.indirect_vreg.gather [hbm4b:s2+s4], $0x80, v27, vm0, $0xb8;
	[tilespmem:$0x11000] =	vst v63  }
0x50: {  	v48 =	vperm.xlane v25, v9;
	s31 =	simm.s32 $0x1A80;
	v27 =	vadd.s32 v3, v47  }
0x51: {  	[tilespmem:s31], [sflag:$0x1] =	stream.indirect_vreg.gather [hbm4b:s2+s4], $0x80, v45, vm0, $0xb8;
	[tilespmem:$0x11000] =	vst v63  }
0x52: {  	v50 =	vperm.xlane v25, v10;
	v49 =	vadd.s32 v3, v48;
	s30 =	simm.s32 $0x1B00  }
0x53: {  	[tilespmem:s30], [sflag:$0x1] =	stream.indirect_vreg.gather [hbm4b:s2+s4], $0x80, v26, vm0, $0xb8;
	[tilespmem:$0x11000] =	vst v63  }
0x54: {  	v51 =	vperm.xlane v25, v11;
	s31 =	simm.s32 $0x1B80;
	v26 =	vadd.s32 v3, v50  }
0x55: {  	[tilespmem:s31], [sflag:$0x1] =	stream.indirect_vreg.gather [hbm4b:s2+s4], $0x80, v27, vm0, $0xb8;
	[tilespmem:$0x11000] =	vst v63  }
0x56: {  	v52 =	vperm.xlane v25, v13;
	s30 =	simm.s32 $0x1C00;
	v27 =	vadd.s32 v3, v51  }
0x57: {  	[tilespmem:s30], [sflag:$0x1] =	stream.indirect_vreg.gather [hbm4b:s2+s4], $0x80, v49, vm0, $0xb8;
	[tilespmem:$0x11000] =	vst v63  }
0x58: {  	v54 =	vperm.xlane v25, v14;
	v53 =	vadd.s32 v3, v52;
	s31 =	simm.s32 $0x1C80  }
0x59: {  	[tilespmem:s31], [sflag:$0x1] =	stream.indirect_vreg.gather [hbm4b:s2+s4], $0x80, v26, vm0, $0xb8;
	[tilespmem:$0x11000] =	vst v63  }
0x5a: {  	v55 =	vperm.xlane v25, v15;
	s30 =	simm.s32 $0x1D00;
	v26 =	vadd.s32 v3, v54  }
0x5b: {  	[tilespmem:s30], [sflag:$0x1] =	stream.indirect_vreg.gather [hbm4b:s2+s4], $0x80, v27, vm0, $0xb8;
	[tilespmem:$0x11000] =	vst v63  }
0x5c: {  	v56 =	vperm.xlane v25, v16;
	s31 =	simm.s32 $0x1D80;
	v27 =	vadd.s32 v3, v55  }
0x5d: {  	[tilespmem:s31], [sflag:$0x1] =	stream.indirect_vreg.gather [hbm4b:s2+s4], $0x80, v53, vm0, $0xb8;
	[tilespmem:$0x11000] =	vst v63  }
0x5e: {  	v25 =	vperm.xlane v25, v17;
	v57 =	vadd.s32 v3, v56;
	s30 =	simm.s32 $0x1E00  }
0x5f: {  	[tilespmem:s30], [sflag:$0x1] =	stream.indirect_vreg.gather [hbm4b:s2+s4], $0x80, v26, vm0, $0xb8;
	[tilespmem:$0x11000] =	vst v63  }
0x60: {  	v25 =	vadd.s32 v3, v25;
	s31 =	simm.s32 $0x1E80  }
0x61: {  	[tilespmem:s31], [sflag:$0x1] =	stream.indirect_vreg.gather [hbm4b:s2+s4], $0x80, v27, vm0, $0xb8;
	[tilespmem:$0x11000] =	vst v63  }
0x62: {  	s30 =	simm.s32 $0x1F00  }
0x63: {  	[tilespmem:s30], [sflag:$0x1] =	stream.indirect_vreg.gather [hbm4b:s2+s4], $0x80, v57, vm0, $0xb8;
	[tilespmem:$0x11000] =	vst v63  }
0x64: {  	s31 =	simm.s32 $0x1F80  }
0x65: {  	[tilespmem:s31], [sflag:$0x1] =	stream.indirect_vreg.gather [hbm4b:s2+s4], $0x80, v25, vm0, $0xb8;
	[tilespmem:$0x11000] =	vst v63  }
0x66: {  	v25 =	vld [tilespmem:s5+$0x20];
	_ =	sdelay $0x4  }
0x67: {  	v26 =	vshrl.u32 v25, $0x3  }
0x68: {  	v26 =	vmul.u32 $0x4E8, v26  }
0x69: {  	v25 =	vand.u32 $0x7, v25  }
0x6a: {  	v25 =	vor.u32 v25, v26  }
0x6b: {  	v26 =	vperm.xlane v25, v2;
	_ =	sdelay $0x1  }
0x6c: {  	v27 =	vperm.xlane v25, v4;
	v26 =	vadd.s32 v3, v26;
	_ =	sdelay $0x1  }
0x6d: {  	v58 =	vperm.xlane v25, v5;
	v27 =	vadd.s32 v3, v27;
	_ =	sdelay $0x1  }
0x6e: {  	s30 =	simm.s32 $0x2000;
	v59 =	vperm.xlane v25, v0;
	v28 =	vadd.s32 v3, v58  }
0x6f: {  	[tilespmem:s30], [sflag:$0x1] =	stream.indirect_vreg.gather [hbm4b:s2+s4], $0x80, v26, vm0, $0xb8;
	[tilespmem:$0x11000] =	vst v63  }
0x70: {  	s31 =	simm.s32 $0x2080;
	v60 =	vperm.xlane v25, v6;
	v26 =	vadd.s32 v3, v59  }
0x71: {  	[tilespmem:s31], [sflag:$0x1] =	stream.indirect_vreg.gather [hbm4b:s2+s4], $0x80, v27, vm0, $0xb8;
	[tilespmem:$0x11000] =	vst v63  }
0x72: {  	v61 =	vperm.xlane v25, v7;
	s30 =	simm.s32 $0x2100;
	v27 =	vadd.s32 v3, v60  }
0x73: {  	[tilespmem:s30], [sflag:$0x1] =	stream.indirect_vreg.gather [hbm4b:s2+s4], $0x80, v28, vm0, $0xb8;
	[tilespmem:$0x11000] =	vst v63  }
0x74: {  	v63 =	vperm.xlane v25, v8;
	v62 =	vadd.s32 v3, v61;
	s31 =	simm.s32 $0x2180  }
0x75: {  	[tilespmem:s31], [sflag:$0x1] =	stream.indirect_vreg.gather [hbm4b:s2+s4], $0x80, v26, vm0, $0xb8;
	[tilespmem:$0x11000] =	vst v63  }
0x76: {  	v32 =	vperm.xlane v25, v1;
	s30 =	simm.s32 $0x2200;
	v26 =	vadd.s32 v3, v63  }
0x77: {  	[tilespmem:s30], [sflag:$0x1] =	stream.indirect_vreg.gather [hbm4b:s2+s4], $0x80, v27, vm0, $0xb8;
	[tilespmem:$0x11000] =	vst v63  }
0x78: {  	v33 =	vperm.xlane v25, v9;
	s31 =	simm.s32 $0x2280;
	v27 =	vadd.s32 v3, v32  }
0x79: {  	[tilespmem:s31], [sflag:$0x1] =	stream.indirect_vreg.gather [hbm4b:s2+s4], $0x80, v62, vm0, $0xb8;
	[tilespmem:$0x11000] =	vst v63  }
0x7a: {  	v35 =	vperm.xlane v25, v10;
	v34 =	vadd.s32 v3, v33;
	s30 =	simm.s32 $0x2300  }
0x7b: {  	[tilespmem:s30], [sflag:$0x1] =	stream.indirect_vreg.gather [hbm4b:s2+s4], $0x80, v26, vm0, $0xb8;
	[tilespmem:$0x11000] =	vst v63  }
0x7c: {  	v36 =	vperm.xlane v25, v11;
	s31 =	simm.s32 $0x2380;
	v26 =	vadd.s32 v3, v35  }
0x7d: {  	[tilespmem:s31], [sflag:$0x1] =	stream.indirect_vreg.gather [hbm4b:s2+s4], $0x80, v27, vm0, $0xb8;
	[tilespmem:$0x11000] =	vst v63  }
0x7e: {  	v37 =	vperm.xlane v25, v13;
	s30 =	simm.s32 $0x2400;
	v27 =	vadd.s32 v3, v36  }
0x7f: {  	[tilespmem:s30], [sflag:$0x1] =	stream.indirect_vreg.gather [hbm4b:s2+s4], $0x80, v34, vm0, $0xb8;
	[tilespmem:$0x11000] =	vst v63  }
0x80: {  	v39 =	vperm.xlane v25, v14;
	v38 =	vadd.s32 v3, v37;
	s31 =	simm.s32 $0x2480  }
0x81: {  	[tilespmem:s31], [sflag:$0x1] =	stream.indirect_vreg.gather [hbm4b:s2+s4], $0x80, v26, vm0, $0xb8;
	[tilespmem:$0x11000] =	vst v63  }
0x82: {  	v40 =	vperm.xlane v25, v15;
	s30 =	simm.s32 $0x2500;
	v26 =	vadd.s32 v3, v39  }
0x83: {  	[tilespmem:s30], [sflag:$0x1] =	stream.indirect_vreg.gather [hbm4b:s2+s4], $0x80, v27, vm0, $0xb8;
	[tilespmem:$0x11000] =	vst v63  }
0x84: {  	v41 =	vperm.xlane v25, v16;
	s31 =	simm.s32 $0x2580;
	v27 =	vadd.s32 v3, v40  }
0x85: {  	[tilespmem:s31], [sflag:$0x1] =	stream.indirect_vreg.gather [hbm4b:s2+s4], $0x80, v38, vm0, $0xb8;
	[tilespmem:$0x11000] =	vst v63  }
0x86: {  	v25 =	vperm.xlane v25, v17;
	v42 =	vadd.s32 v3, v41;
	s30 =	simm.s32 $0x2600  }
0x87: {  	[tilespmem:s30], [sflag:$0x1] =	stream.indirect_vreg.gather [hbm4b:s2+s4], $0x80, v26, vm0, $0xb8;
	[tilespmem:$0x11000] =	vst v63  }
0x88: {  	v25 =	vadd.s32 v3, v25;
	s31 =	simm.s32 $0x2680  }
0x89: {  	[tilespmem:s31], [sflag:$0x1] =	stream.indirect_vreg.gather [hbm4b:s2+s4], $0x80, v27, vm0, $0xb8;
	[tilespmem:$0x11000] =	vst v63  }
0x8a: {  	s30 =	simm.s32 $0x2700  }
0x8b: {  	[tilespmem:s30], [sflag:$0x1] =	stream.indirect_vreg.gather [hbm4b:s2+s4], $0x80, v42, vm0, $0xb8;
	[tilespmem:$0x11000] =	vst v63  }
0x8c: {  	s31 =	simm.s32 $0x2780  }
0x8d: {  	[tilespmem:s31], [sflag:$0x1] =	stream.indirect_vreg.gather [hbm4b:s2+s4], $0x80, v25, vm0, $0xb8;
	[tilespmem:$0x11000] =	vst v63  }
0x8e: {  	v25 =	vld [tilespmem:s5+$0x30];
	_ =	sdelay $0x4  }
0x8f: {  	v26 =	vshrl.u32 v25, $0x3  }
0x90: {  	v26 =	vmul.u32 $0x4E8, v26  }
0x91: {  	v25 =	vand.u32 $0x7, v25  }
0x92: {  	v25 =	vor.u32 v25, v26  }
0x93: {  	v26 =	vperm.xlane v25, v2;
	_ =	sdelay $0x1  }
0x94: {  	v27 =	vperm.xlane v25, v4;
	v26 =	vadd.s32 v3, v26;
	_ =	sdelay $0x1  }
0x95: {  	v43 =	vperm.xlane v25, v5;
	v27 =	vadd.s32 v3, v27;
	_ =	sdelay $0x1  }
0x96: {  	s30 =	simm.s32 $0x2800;
	v44 =	vperm.xlane v25, v0;
	v28 =	vadd.s32 v3, v43  }
0x97: {  	[tilespmem:s30], [sflag:$0x1] =	stream.indirect_vreg.gather [hbm4b:s2+s4], $0x80, v26, vm0, $0xb8;
	[tilespmem:$0x11000] =	vst v63  }
0x98: {  	s31 =	simm.s32 $0x2880;
	v45 =	vperm.xlane v25, v6;
	v26 =	vadd.s32 v3, v44  }
0x99: {  	[tilespmem:s31], [sflag:$0x1] =	stream.indirect_vreg.gather [hbm4b:s2+s4], $0x80, v27, vm0, $0xb8;
	[tilespmem:$0x11000] =	vst v63  }
0x9a: {  	v46 =	vperm.xlane v25, v7;
	s30 =	simm.s32 $0x2900;
	v27 =	vadd.s32 v3, v45  }
0x9b: {  	[tilespmem:s30], [sflag:$0x1] =	stream.indirect_vreg.gather [hbm4b:s2+s4], $0x80, v28, vm0, $0xb8;
	[tilespmem:$0x11000] =	vst v63  }
0x9c: {  	v48 =	vperm.xlane v25, v8;
	v47 =	vadd.s32 v3, v46;
	s31 =	simm.s32 $0x2980  }
0x9d: {  	[tilespmem:s31], [sflag:$0x1] =	stream.indirect_vreg.gather [hbm4b:s2+s4], $0x80, v26, vm0, $0xb8;
	[tilespmem:$0x11000] =	vst v63  }
0x9e: {  	v49 =	vperm.xlane v25, v1;
	s30 =	simm.s32 $0x2A00;
	v26 =	vadd.s32 v3, v48  }
0x9f: {  	[tilespmem:s30], [sflag:$0x1] =	stream.indirect_vreg.gather [hbm4b:s2+s4], $0x80, v27, vm0, $0xb8;
	[tilespmem:$0x11000] =	vst v63  }
0xa0: {  	v50 =	vperm.xlane v25, v9;
	s31 =	simm.s32 $0x2A80;
	v27 =	vadd.s32 v3, v49  }
0xa1: {  	[tilespmem:s31], [sflag:$0x1] =	stream.indirect_vreg.gather [hbm4b:s2+s4], $0x80, v47, vm0, $0xb8;
	[tilespmem:$0x11000] =	vst v63  }
0xa2: {  	v52 =	vperm.xlane v25, v10;
	v51 =	vadd.s32 v3, v50;
	s30 =	simm.s32 $0x2B00  }
0xa3: {  	[tilespmem:s30], [sflag:$0x1] =	stream.indirect_vreg.gather [hbm4b:s2+s4], $0x80, v26, vm0, $0xb8;
	[tilespmem:$0x11000] =	vst v63  }
0xa4: {  	v53 =	vperm.xlane v25, v11;
	s31 =	simm.s32 $0x2B80;
	v26 =	vadd.s32 v3, v52  }
0xa5: {  	[tilespmem:s31], [sflag:$0x1] =	stream.indirect_vreg.gather [hbm4b:s2+s4], $0x80, v27, vm0, $0xb8;
	[tilespmem:$0x11000] =	vst v63  }
0xa6: {  	v54 =	vperm.xlane v25, v13;
	s30 =	simm.s32 $0x2C00;
	v27 =	vadd.s32 v3, v53  }
0xa7: {  	[tilespmem:s30], [sflag:$0x1] =	stream.indirect_vreg.gather [hbm4b:s2+s4], $0x80, v51, vm0, $0xb8;
	[tilespmem:$0x11000] =	vst v63  }
0xa8: {  	v56 =	vperm.xlane v25, v14;
	v55 =	vadd.s32 v3, v54;
	s31 =	simm.s32 $0x2C80  }
0xa9: {  	[tilespmem:s31], [sflag:$0x1] =	stream.indirect_vreg.gather [hbm4b:s2+s4], $0x80, v26, vm0, $0xb8;
	[tilespmem:$0x11000] =	vst v63  }
0xaa: {  	v57 =	vperm.xlane v25, v15;
	s30 =	simm.s32 $0x2D00;
	v26 =	vadd.s32 v3, v56  }
0xab: {  	[tilespmem:s30], [sflag:$0x1] =	stream.indirect_vreg.gather [hbm4b:s2+s4], $0x80, v27, vm0, $0xb8;
	[tilespmem:$0x11000] =	vst v63  }
0xac: {  	v58 =	vperm.xlane v25, v16;
	s31 =	simm.s32 $0x2D80;
	v27 =	vadd.s32 v3, v57  }
0xad: {  	[tilespmem:s31], [sflag:$0x1] =	stream.indirect_vreg.gather [hbm4b:s2+s4], $0x80, v55, vm0, $0xb8;
	[tilespmem:$0x11000] =	vst v63  }
0xae: {  	v25 =	vperm.xlane v25, v17;
	v59 =	vadd.s32 v3, v58;
	s30 =	simm.s32 $0x2E00  }
0xaf: {  	[tilespmem:s30], [sflag:$0x1] =	stream.indirect_vreg.gather [hbm4b:s2+s4], $0x80, v26, vm0, $0xb8;
	[tilespmem:$0x11000] =	vst v63  }
0xb0: {  	v25 =	vadd.s32 v3, v25;
	s31 =	simm.s32 $0x2E80  }
0xb1: {  	[tilespmem:s31], [sflag:$0x1] =	stream.indirect_vreg.gather [hbm4b:s2+s4], $0x80, v27, vm0, $0xb8;
	[tilespmem:$0x11000] =	vst v63  }
0xb2: {  	s30 =	simm.s32 $0x2F00  }
0xb3: {  	[tilespmem:s30], [sflag:$0x1] =	stream.indirect_vreg.gather [hbm4b:s2+s4], $0x80, v59, vm0, $0xb8;
	[tilespmem:$0x11000] =	vst v63  }
0xb4: {  	s31 =	simm.s32 $0x2F80  }
0xb5: {  	[tilespmem:s31], [sflag:$0x1] =	stream.indirect_vreg.gather [hbm4b:s2+s4], $0x80, v25, vm0, $0xb8;
	[tilespmem:$0x11000] =	vst v63  }
0xb6: {  	v25 =	vld [tilespmem:s5+$0x40];
	_ =	sdelay $0x4  }
0xb7: {  	v26 =	vshrl.u32 v25, $0x3  }
0xb8: {  	v26 =	vmul.u32 $0x4E8, v26  }
0xb9: {  	v25 =	vand.u32 $0x7, v25  }
0xba: {  	v25 =	vor.u32 v25, v26  }
0xbb: {  	v26 =	vperm.xlane v25, v2;
	_ =	sdelay $0x1  }
0xbc: {  	v27 =	vperm.xlane v25, v4;
	v26 =	vadd.s32 v3, v26;
	_ =	sdelay $0x1  }
0xbd: {  	v60 =	vperm.xlane v25, v5;
	v27 =	vadd.s32 v3, v27;
	_ =	sdelay $0x1  }
0xbe: {  	s30 =	simm.s32 $0x3000;
	v61 =	vperm.xlane v25, v0;
	v28 =	vadd.s32 v3, v60  }
0xbf: {  	[tilespmem:s30], [sflag:$0x1] =	stream.indirect_vreg.gather [hbm4b:s2+s4], $0x80, v26, vm0, $0xb8;
	[tilespmem:$0x11000] =	vst v63  }
0xc0: {  	s31 =	simm.s32 $0x3080;
	v62 =	vperm.xlane v25, v6;
	v26 =	vadd.s32 v3, v61  }
0xc1: {  	[tilespmem:s31], [sflag:$0x1] =	stream.indirect_vreg.gather [hbm4b:s2+s4], $0x80, v27, vm0, $0xb8;
	[tilespmem:$0x11000] =	vst v63  }
0xc2: {  	v63 =	vperm.xlane v25, v7;
	s30 =	simm.s32 $0x3100;
	v27 =	vadd.s32 v3, v62  }
0xc3: {  	[tilespmem:s30], [sflag:$0x1] =	stream.indirect_vreg.gather [hbm4b:s2+s4], $0x80, v28, vm0, $0xb8;
	[tilespmem:$0x11000] =	vst v63  }
0xc4: {  	v33 =	vperm.xlane v25, v8;
	v32 =	vadd.s32 v3, v63;
	s31 =	simm.s32 $0x3180  }
0xc5: {  	[tilespmem:s31], [sflag:$0x1] =	stream.indirect_vreg.gather [hbm4b:s2+s4], $0x80, v26, vm0, $0xb8;
	[tilespmem:$0x11000] =	vst v63  }
0xc6: {  	v34 =	vperm.xlane v25, v1;
	s30 =	simm.s32 $0x3200;
	v26 =	vadd.s32 v3, v33  }
0xc7: {  	[tilespmem:s30], [sflag:$0x1] =	stream.indirect_vreg.gather [hbm4b:s2+s4], $0x80, v27, vm0, $0xb8;
	[tilespmem:$0x11000] =	vst v63  }
0xc8: {  	v35 =	vperm.xlane v25, v9;
	s31 =	simm.s32 $0x3280;
	v27 =	vadd.s32 v3, v34  }
0xc9: {  	[tilespmem:s31], [sflag:$0x1] =	stream.indirect_vreg.gather [hbm4b:s2+s4], $0x80, v32, vm0, $0xb8;
	[tilespmem:$0x11000] =	vst v63  }
0xca: {  	v37 =	vperm.xlane v25, v10;
	v36 =	vadd.s32 v3, v35;
	s30 =	simm.s32 $0x3300  }
0xcb: {  	[tilespmem:s30], [sflag:$0x1] =	stream.indirect_vreg.gather [hbm4b:s2+s4], $0x80, v26, vm0, $0xb8;
	[tilespmem:$0x11000] =	vst v63  }
0xcc: {  	v38 =	vperm.xlane v25, v11;
	s31 =	simm.s32 $0x3380;
	v26 =	vadd.s32 v3, v37  }
0xcd: {  	[tilespmem:s31], [sflag:$0x1] =	stream.indirect_vreg.gather [hbm4b:s2+s4], $0x80, v27, vm0, $0xb8;
	[tilespmem:$0x11000] =	vst v63  }
0xce: {  	v39 =	vperm.xlane v25, v13;
	s30 =	simm.s32 $0x3400;
	v27 =	vadd.s32 v3, v38  }
0xcf: {  	[tilespmem:s30], [sflag:$0x1] =	stream.indirect_vreg.gather [hbm4b:s2+s4], $0x80, v36, vm0, $0xb8;
	[tilespmem:$0x11000] =	vst v63  }
0xd0: {  	v41 =	vperm.xlane v25, v14;
	v40 =	vadd.s32 v3, v39;
	s31 =	simm.s32 $0x3480  }
0xd1: {  	[tilespmem:s31], [sflag:$0x1] =	stream.indirect_vreg.gather [hbm4b:s2+s4], $0x80, v26, vm0, $0xb8;
	[tilespmem:$0x11000] =	vst v63  }
0xd2: {  	v42 =	vperm.xlane v25, v15;
	s30 =	simm.s32 $0x3500;
	v26 =	vadd.s32 v3, v41  }
0xd3: {  	[tilespmem:s30], [sflag:$0x1] =	stream.indirect_vreg.gather [hbm4b:s2+s4], $0x80, v27, vm0, $0xb8;
	[tilespmem:$0x11000] =	vst v63  }
0xd4: {  	v43 =	vperm.xlane v25, v16;
	s31 =	simm.s32 $0x3580;
	v27 =	vadd.s32 v3, v42  }
0xd5: {  	[tilespmem:s31], [sflag:$0x1] =	stream.indirect_vreg.gather [hbm4b:s2+s4], $0x80, v40, vm0, $0xb8;
	[tilespmem:$0x11000] =	vst v63  }
0xd6: {  	v25 =	vperm.xlane v25, v17;
	v44 =	vadd.s32 v3, v43;
	s30 =	simm.s32 $0x3600  }
0xd7: {  	[tilespmem:s30], [sflag:$0x1] =	stream.indirect_vreg.gather [hbm4b:s2+s4], $0x80, v26, vm0, $0xb8;
	[tilespmem:$0x11000] =	vst v63  }
0xd8: {  	v25 =	vadd.s32 v3, v25;
	s31 =	simm.s32 $0x3680  }
0xd9: {  	[tilespmem:s31], [sflag:$0x1] =	stream.indirect_vreg.gather [hbm4b:s2+s4], $0x80, v27, vm0, $0xb8;
	[tilespmem:$0x11000] =	vst v63  }
0xda: {  	s30 =	simm.s32 $0x3700  }
0xdb: {  	[tilespmem:s30], [sflag:$0x1] =	stream.indirect_vreg.gather [hbm4b:s2+s4], $0x80, v44, vm0, $0xb8;
	[tilespmem:$0x11000] =	vst v63  }
0xdc: {  	s31 =	simm.s32 $0x3780  }
0xdd: {  	[tilespmem:s31], [sflag:$0x1] =	stream.indirect_vreg.gather [hbm4b:s2+s4], $0x80, v25, vm0, $0xb8;
	[tilespmem:$0x11000] =	vst v63  }
0xde: {  	v25 =	vld [tilespmem:s5+$0x50];
	_ =	sdelay $0x4  }
0xdf: {  	v26 =	vshrl.u32 v25, $0x3  }
0xe0: {  	v26 =	vmul.u32 $0x4E8, v26  }
0xe1: {  	v25 =	vand.u32 $0x7, v25  }
0xe2: {  	v25 =	vor.u32 v25, v26  }
0xe3: {  	v26 =	vperm.xlane v25, v2;
	_ =	sdelay $0x1  }
0xe4: {  	v27 =	vperm.xlane v25, v4;
	v26 =	vadd.s32 v3, v26;
	_ =	sdelay $0x1  }
0xe5: {  	v45 =	vperm.xlane v25, v5;
	v27 =	vadd.s32 v3, v27;
	_ =	sdelay $0x1  }
0xe6: {  	s30 =	simm.s32 $0x3800;
	v46 =	vperm.xlane v25, v0;
	v28 =	vadd.s32 v3, v45  }
0xe7: {  	[tilespmem:s30], [sflag:$0x1] =	stream.indirect_vreg.gather [hbm4b:s2+s4], $0x80, v26, vm0, $0xb8;
	[tilespmem:$0x11000] =	vst v63  }
0xe8: {  	s31 =	simm.s32 $0x3880;
	v47 =	vperm.xlane v25, v6;
	v26 =	vadd.s32 v3, v46  }
0xe9: {  	[tilespmem:s31], [sflag:$0x1] =	stream.indirect_vreg.gather [hbm4b:s2+s4], $0x80, v27, vm0, $0xb8;
	[tilespmem:$0x11000] =	vst v63  }
0xea: {  	v48 =	vperm.xlane v25, v7;
	s30 =	simm.s32 $0x3900;
	v27 =	vadd.s32 v3, v47  }
0xeb: {  	[tilespmem:s30], [sflag:$0x1] =	stream.indirect_vreg.gather [hbm4b:s2+s4], $0x80, v28, vm0, $0xb8;
	[tilespmem:$0x11000] =	vst v63  }
0xec: {  	v50 =	vperm.xlane v25, v8;
	v49 =	vadd.s32 v3, v48;
	s31 =	simm.s32 $0x3980  }
0xed: {  	[tilespmem:s31], [sflag:$0x1] =	stream.indirect_vreg.gather [hbm4b:s2+s4], $0x80, v26, vm0, $0xb8;
	[tilespmem:$0x11000] =	vst v63  }
0xee: {  	v51 =	vperm.xlane v25, v1;
	s30 =	simm.s32 $0x3A00;
	v26 =	vadd.s32 v3, v50  }
0xef: {  	[tilespmem:s30], [sflag:$0x1] =	stream.indirect_vreg.gather [hbm4b:s2+s4], $0x80, v27, vm0, $0xb8;
	[tilespmem:$0x11000] =	vst v63  }
0xf0: {  	v52 =	vperm.xlane v25, v9;
	s31 =	simm.s32 $0x3A80;
	v27 =	vadd.s32 v3, v51  }
0xf1: {  	[tilespmem:s31], [sflag:$0x1] =	stream.indirect_vreg.gather [hbm4b:s2+s4], $0x80, v49, vm0, $0xb8;
	[tilespmem:$0x11000] =	vst v63  }
0xf2: {  	v54 =	vperm.xlane v25, v10;
	v53 =	vadd.s32 v3, v52;
	s30 =	simm.s32 $0x3B00  }
0xf3: {  	[tilespmem:s30], [sflag:$0x1] =	stream.indirect_vreg.gather [hbm4b:s2+s4], $0x80, v26, vm0, $0xb8;
	[tilespmem:$0x11000] =	vst v63  }
0xf4: {  	v55 =	vperm.xlane v25, v11;
	s31 =	simm.s32 $0x3B80;
	v26 =	vadd.s32 v3, v54  }
0xf5: {  	[tilespmem:s31], [sflag:$0x1] =	stream.indirect_vreg.gather [hbm4b:s2+s4], $0x80, v27, vm0, $0xb8;
	[tilespmem:$0x11000] =	vst v63  }
0xf6: {  	v56 =	vperm.xlane v25, v13;
	s30 =	simm.s32 $0x3C00;
	v27 =	vadd.s32 v3, v55  }
0xf7: {  	[tilespmem:s30], [sflag:$0x1] =	stream.indirect_vreg.gather [hbm4b:s2+s4], $0x80, v53, vm0, $0xb8;
	[tilespmem:$0x11000] =	vst v63  }
0xf8: {  	v58 =	vperm.xlane v25, v14;
	v57 =	vadd.s32 v3, v56;
	s31 =	simm.s32 $0x3C80  }
0xf9: {  	[tilespmem:s31], [sflag:$0x1] =	stream.indirect_vreg.gather [hbm4b:s2+s4], $0x80, v26, vm0, $0xb8;
	[tilespmem:$0x11000] =	vst v63  }
0xfa: {  	v59 =	vperm.xlane v25, v15;
	s30 =	simm.s32 $0x3D00;
	v26 =	vadd.s32 v3, v58  }
0xfb: {  	[tilespmem:s30], [sflag:$0x1] =	stream.indirect_vreg.gather [hbm4b:s2+s4], $0x80, v27, vm0, $0xb8;
	[tilespmem:$0x11000] =	vst v63  }
0xfc: {  	v60 =	vperm.xlane v25, v16;
	s31 =	simm.s32 $0x3D80;
	v27 =	vadd.s32 v3, v59  }
0xfd: {  	[tilespmem:s31], [sflag:$0x1] =	stream.indirect_vreg.gather [hbm4b:s2+s4], $0x80, v57, vm0, $0xb8;
	[tilespmem:$0x11000] =	vst v63  }
0xfe: {  	v25 =	vperm.xlane v25, v17;
	v61 =	vadd.s32 v3, v60;
	s30 =	simm.s32 $0x3E00  }
0xff: {  	[tilespmem:s30], [sflag:$0x1] =	stream.indirect_vreg.gather [hbm4b:s2+s4], $0x80, v26, vm0, $0xb8;
	[tilespmem:$0x11000] =	vst v63  }
0x100: {  	v25 =	vadd.s32 v3, v25;
	s31 =	simm.s32 $0x3E80  }
0x101: {  	[tilespmem:s31], [sflag:$0x1] =	stream.indirect_vreg.gather [hbm4b:s2+s4], $0x80, v27, vm0, $0xb8;
	[tilespmem:$0x11000] =	vst v63  }
0x102: {  	s30 =	simm.s32 $0x3F00  }
0x103: {  	[tilespmem:s30], [sflag:$0x1] =	stream.indirect_vreg.gather [hbm4b:s2+s4], $0x80, v61, vm0, $0xb8;
	[tilespmem:$0x11000] =	vst v63  }
0x104: {  	s31 =	simm.s32 $0x3F80  }
0x105: {  	[tilespmem:s31], [sflag:$0x1] =	stream.indirect_vreg.gather [hbm4b:s2+s4], $0x80, v25, vm0, $0xb8;
	[tilespmem:$0x11000] =	vst v63  }
0x106: {  	v25 =	vld [tilespmem:s5+$0x60];
	_ =	sdelay $0x4  }
0x107: {  	v26 =	vshrl.u32 v25, $0x3  }
0x108: {  	v26 =	vmul.u32 $0x4E8, v26  }
0x109: {  	v25 =	vand.u32 $0x7, v25  }
0x10a: {  	v25 =	vor.u32 v25, v26  }
0x10b: {  	v26 =	vperm.xlane v25, v2;
	_ =	sdelay $0x1  }
0x10c: {  	v27 =	vperm.xlane v25, v4;
	v26 =	vadd.s32 v3, v26;
	_ =	sdelay $0x1  }
0x10d: {  	v62 =	vperm.xlane v25, v5;
	v27 =	vadd.s32 v3, v27;
	_ =	sdelay $0x1  }
0x10e: {  	s30 =	simm.s32 $0x4000;
	v63 =	vperm.xlane v25, v0;
	v28 =	vadd.s32 v3, v62  }
0x10f: {  	[tilespmem:s30], [sflag:$0x1] =	stream.indirect_vreg.gather [hbm4b:s2+s4], $0x80, v26, vm0, $0xb8;
	[tilespmem:$0x11000] =	vst v63  }
0x110: {  	s31 =	simm.s32 $0x4080;
	v32 =	vperm.xlane v25, v6;
	v26 =	vadd.s32 v3, v63  }
0x111: {  	[tilespmem:s31], [sflag:$0x1] =	stream.indirect_vreg.gather [hbm4b:s2+s4], $0x80, v27, vm0, $0xb8;
	[tilespmem:$0x11000] =	vst v63  }
0x112: {  	v33 =	vperm.xlane v25, v7;
	s30 =	simm.s32 $0x4100;
	v27 =	vadd.s32 v3, v32  }
0x113: {  	[tilespmem:s30], [sflag:$0x1] =	stream.indirect_vreg.gather [hbm4b:s2+s4], $0x80, v28, vm0, $0xb8;
	[tilespmem:$0x11000] =	vst v63  }
0x114: {  	v35 =	vperm.xlane v25, v8;
	v34 =	vadd.s32 v3, v33;
	s31 =	simm.s32 $0x4180  }
0x115: {  	[tilespmem:s31], [sflag:$0x1] =	stream.indirect_vreg.gather [hbm4b:s2+s4], $0x80, v26, vm0, $0xb8;
	[tilespmem:$0x11000] =	vst v63  }
0x116: {  	v36 =	vperm.xlane v25, v1;
	s30 =	simm.s32 $0x4200;
	v26 =	vadd.s32 v3, v35  }
0x117: {  	[tilespmem:s30], [sflag:$0x1] =	stream.indirect_vreg.gather [hbm4b:s2+s4], $0x80, v27, vm0, $0xb8;
	[tilespmem:$0x11000] =	vst v63  }
0x118: {  	v37 =	vperm.xlane v25, v9;
	s31 =	simm.s32 $0x4280;
	v27 =	vadd.s32 v3, v36  }
0x119: {  	[tilespmem:s31], [sflag:$0x1] =	stream.indirect_vreg.gather [hbm4b:s2+s4], $0x80, v34, vm0, $0xb8;
	[tilespmem:$0x11000] =	vst v63  }
0x11a: {  	v39 =	vperm.xlane v25, v10;
	v38 =	vadd.s32 v3, v37;
	s30 =	simm.s32 $0x4300  }
0x11b: {  	[tilespmem:s30], [sflag:$0x1] =	stream.indirect_vreg.gather [hbm4b:s2+s4], $0x80, v26, vm0, $0xb8;
	[tilespmem:$0x11000] =	vst v63  }
0x11c: {  	v40 =	vperm.xlane v25, v11;
	s31 =	simm.s32 $0x4380;
	v26 =	vadd.s32 v3, v39  }
0x11d: {  	[tilespmem:s31], [sflag:$0x1] =	stream.indirect_vreg.gather [hbm4b:s2+s4], $0x80, v27, vm0, $0xb8;
	[tilespmem:$0x11000] =	vst v63  }
0x11e: {  	v41 =	vperm.xlane v25, v13;
	s30 =	simm.s32 $0x4400;
	v27 =	vadd.s32 v3, v40  }
0x11f: {  	[tilespmem:s30], [sflag:$0x1] =	stream.indirect_vreg.gather [hbm4b:s2+s4], $0x80, v38, vm0, $0xb8;
	[tilespmem:$0x11000] =	vst v63  }
0x120: {  	v43 =	vperm.xlane v25, v14;
	v42 =	vadd.s32 v3, v41;
	s31 =	simm.s32 $0x4480  }
0x121: {  	[tilespmem:s31], [sflag:$0x1] =	stream.indirect_vreg.gather [hbm4b:s2+s4], $0x80, v26, vm0, $0xb8;
	[tilespmem:$0x11000] =	vst v63  }
0x122: {  	v44 =	vperm.xlane v25, v15;
	s30 =	simm.s32 $0x4500;
	v26 =	vadd.s32 v3, v43  }
0x123: {  	[tilespmem:s30], [sflag:$0x1] =	stream.indirect_vreg.gather [hbm4b:s2+s4], $0x80, v27, vm0, $0xb8;
	[tilespmem:$0x11000] =	vst v63  }
0x124: {  	v45 =	vperm.xlane v25, v16;
	s31 =	simm.s32 $0x4580;
	v27 =	vadd.s32 v3, v44  }
0x125: {  	[tilespmem:s31], [sflag:$0x1] =	stream.indirect_vreg.gather [hbm4b:s2+s4], $0x80, v42, vm0, $0xb8;
	[tilespmem:$0x11000] =	vst v63  }
0x126: {  	v25 =	vperm.xlane v25, v17;
	v46 =	vadd.s32 v3, v45;
	s30 =	simm.s32 $0x4600  }
0x127: {  	[tilespmem:s30], [sflag:$0x1] =	stream.indirect_vreg.gather [hbm4b:s2+s4], $0x80, v26, vm0, $0xb8;
	[tilespmem:$0x11000] =	vst v63  }
0x128: {  	v25 =	vadd.s32 v3, v25;
	s31 =	simm.s32 $0x4680  }
0x129: {  	[tilespmem:s31], [sflag:$0x1] =	stream.indirect_vreg.gather [hbm4b:s2+s4], $0x80, v27, vm0, $0xb8;
	[tilespmem:$0x11000] =	vst v63  }
0x12a: {  	s30 =	simm.s32 $0x4700  }
0x12b: {  	[tilespmem:s30], [sflag:$0x1] =	stream.indirect_vreg.gather [hbm4b:s2+s4], $0x80, v46, vm0, $0xb8;
	[tilespmem:$0x11000] =	vst v63  }
0x12c: {  	s31 =	simm.s32 $0x4780  }
0x12d: {  	[tilespmem:s31], [sflag:$0x1] =	stream.indirect_vreg.gather [hbm4b:s2+s4], $0x80, v25, vm0, $0xb8;
	[tilespmem:$0x11000] =	vst v63  }
0x12e: {  	v25 =	vld [tilespmem:s5+$0x70];
	_ =	sdelay $0x4  }
0x12f: {  	v26 =	vshrl.u32 v25, $0x3  }
0x130: {  	v26 =	vmul.u32 $0x4E8, v26  }
0x131: {  	v25 =	vand.u32 $0x7, v25  }
0x132: {  	v25 =	vor.u32 v25, v26  }
0x133: {  	v26 =	vperm.xlane v25, v2;
	_ =	sdelay $0x1  }
0x134: {  	v27 =	vperm.xlane v25, v4;
	v26 =	vadd.s32 v3, v26;
	_ =	sdelay $0x1  }
0x135: {  	v47 =	vperm.xlane v25, v5;
	v27 =	vadd.s32 v3, v27;
	_ =	sdelay $0x1  }
0x136: {  	s30 =	simm.s32 $0x4800;
	v48 =	vperm.xlane v25, v0;
	v28 =	vadd.s32 v3, v47  }
0x137: {  	[tilespmem:s30], [sflag:$0x1] =	stream.indirect_vreg.gather [hbm4b:s2+s4], $0x80, v26, vm0, $0xb8;
	[tilespmem:$0x11000] =	vst v63  }
0x138: {  	s31 =	simm.s32 $0x4880;
	v49 =	vperm.xlane v25, v6;
	v26 =	vadd.s32 v3, v48  }
0x139: {  	[tilespmem:s31], [sflag:$0x1] =	stream.indirect_vreg.gather [hbm4b:s2+s4], $0x80, v27, vm0, $0xb8;
	[tilespmem:$0x11000] =	vst v63  }
0x13a: {  	v50 =	vperm.xlane v25, v7;
	s30 =	simm.s32 $0x4900;
	v27 =	vadd.s32 v3, v49  }
0x13b: {  	[tilespmem:s30], [sflag:$0x1] =	stream.indirect_vreg.gather [hbm4b:s2+s4], $0x80, v28, vm0, $0xb8;
	[tilespmem:$0x11000] =	vst v63  }
0x13c: {  	v52 =	vperm.xlane v25, v8;
	v51 =	vadd.s32 v3, v50;
	s31 =	simm.s32 $0x4980  }
0x13d: {  	[tilespmem:s31], [sflag:$0x1] =	stream.indirect_vreg.gather [hbm4b:s2+s4], $0x80, v26, vm0, $0xb8;
	[tilespmem:$0x11000] =	vst v63  }
0x13e: {  	v53 =	vperm.xlane v25, v1;
	s30 =	simm.s32 $0x4A00;
	v26 =	vadd.s32 v3, v52  }
0x13f: {  	[tilespmem:s30], [sflag:$0x1] =	stream.indirect_vreg.gather [hbm4b:s2+s4], $0x80, v27, vm0, $0xb8;
	[tilespmem:$0x11000] =	vst v63  }
0x140: {  	v54 =	vperm.xlane v25, v9;
	s31 =	simm.s32 $0x4A80;
	v27 =	vadd.s32 v3, v53  }
0x141: {  	[tilespmem:s31], [sflag:$0x1] =	stream.indirect_vreg.gather [hbm4b:s2+s4], $0x80, v51, vm0, $0xb8;
	[tilespmem:$0x11000] =	vst v63  }
0x142: {  	v56 =	vperm.xlane v25, v10;
	v55 =	vadd.s32 v3, v54;
	s30 =	simm.s32 $0x4B00  }
0x143: {  	[tilespmem:s30], [sflag:$0x1] =	stream.indirect_vreg.gather [hbm4b:s2+s4], $0x80, v26, vm0, $0xb8;
	[tilespmem:$0x11000] =	vst v63  }
0x144: {  	v57 =	vperm.xlane v25, v11;
	s31 =	simm.s32 $0x4B80;
	v26 =	vadd.s32 v3, v56  }
0x145: {  	[tilespmem:s31], [sflag:$0x1] =	stream.indirect_vreg.gather [hbm4b:s2+s4], $0x80, v27, vm0, $0xb8;
	[tilespmem:$0x11000] =	vst v63  }
0x146: {  	v58 =	vperm.xlane v25, v13;
	s30 =	simm.s32 $0x4C00;
	v27 =	vadd.s32 v3, v57  }
0x147: {  	[tilespmem:s30], [sflag:$0x1] =	stream.indirect_vreg.gather [hbm4b:s2+s4], $0x80, v55, vm0, $0xb8;
	[tilespmem:$0x11000] =	vst v63  }
0x148: {  	v60 =	vperm.xlane v25, v14;
	v59 =	vadd.s32 v3, v58;
	s31 =	simm.s32 $0x4C80  }
0x149: {  	[tilespmem:s31], [sflag:$0x1] =	stream.indirect_vreg.gather [hbm4b:s2+s4], $0x80, v26, vm0, $0xb8;
	[tilespmem:$0x11000] =	vst v63  }
0x14a: {  	v61 =	vperm.xlane v25, v15;
	s30 =	simm.s32 $0x4D00;
	v26 =	vadd.s32 v3, v60  }
0x14b: {  	[tilespmem:s30], [sflag:$0x1] =	stream.indirect_vreg.gather [hbm4b:s2+s4], $0x80, v27, vm0, $0xb8;
	[tilespmem:$0x11000] =	vst v63  }
0x14c: {  	v62 =	vperm.xlane v25, v16;
	s31 =	simm.s32 $0x4D80;
	v27 =	vadd.s32 v3, v61  }
0x14d: {  	[tilespmem:s31], [sflag:$0x1] =	stream.indirect_vreg.gather [hbm4b:s2+s4], $0x80, v59, vm0, $0xb8;
	[tilespmem:$0x11000] =	vst v63  }
0x14e: {  	v25 =	vperm.xlane v25, v17;
	v63 =	vadd.s32 v3, v62;
	s30 =	simm.s32 $0x4E00  }
0x14f: {  	[tilespmem:s30], [sflag:$0x1] =	stream.indirect_vreg.gather [hbm4b:s2+s4], $0x80, v26, vm0, $0xb8;
	[tilespmem:$0x11000] =	vst v63  }
0x150: {  	v25 =	vadd.s32 v3, v25;
	s31 =	simm.s32 $0x4E80  }
0x151: {  	[tilespmem:s31], [sflag:$0x1] =	stream.indirect_vreg.gather [hbm4b:s2+s4], $0x80, v27, vm0, $0xb8;
	[tilespmem:$0x11000] =	vst v63  }
0x152: {  	s30 =	simm.s32 $0x4F00  }
0x153: {  	[tilespmem:s30], [sflag:$0x1] =	stream.indirect_vreg.gather [hbm4b:s2+s4], $0x80, v63, vm0, $0xb8;
	[tilespmem:$0x11000] =	vst v63  }
0x154: {  	s29 =	simm.s32 $0x0;
	s31 =	simm.s32 $0x4F80  }
0x155: {  	[tilespmem:s31], [sflag:$0x1] =	stream.indirect_vreg.gather [hbm4b:s2+s4], $0x80, v25, vm0, $0xb8;
	[tilespmem:$0x11000] =	vst v63  }
.LBB2_2:
0x156: {  	_ =	swait.ge [sflag:s13], $0x4000  }
0x157: {  	[sflag:s13] =	ssyncset.done $0x0  }
0x158: {  	[sflag:s13] =	ssyncadd.s32 $0xFFFFC000  }
0x159: {  	v25 =	vld [tilespmem:s5+$0x0];
	_ =	sdelay $0x4  }
0x15a: {  	v26 =	vshrl.u32 v25, $0x3  }
0x15b: {  	v26 =	vmul.u32 $0x4E8, v26  }
0x15c: {  	v25 =	vand.u32 $0x7, v25  }
0x15d: {  	v25 =	vor.u32 v25, v26  }
0x15e: {  	v26 =	vperm.xlane v25, v2;
	_ =	sdelay $0x1  }
0x15f: {  	v27 =	vperm.xlane v25, v4;
	v26 =	vadd.s32 v3, v26;
	_ =	sdelay $0x1  }
0x160: {  	s30 =	sshllo.u32 s29, $0x1;
	v28 =	vperm.xlane v25, v5;
	v27 =	vadd.s32 v3, v27  }
0x161: {  	s0 =	sshll.u32 s30, $0x7  }
0x162: {  	s31 =	sadd.s32 s2, s0;
	v29 =	vperm.xlane v25, v0;
	v28 =	vadd.s32 v3, v28  }
0x163: {  	[tilespmem:s14], [sflag:$0x2] =	stream.indirect_vreg.gather [hbm4b:s31+s4], $0x80, v26, vm0, $0xb8;
	[tilespmem:$0x11000] =	vst v63  }
0x164: {  	s0 =	simm.s32 $0x5080;
	v26 =	vadd.s32 v3, v29;
	v29 =	vperm.xlane v25, v6  }
0x165: {  	[tilespmem:s0], [sflag:$0x2] =	stream.indirect_vreg.gather [hbm4b:s31+s4], $0x80, v27, vm0, $0xb8;
	[tilespmem:$0x11000] =	vst v63  }
0x166: {  	v27 =	vadd.s32 v3, v29;
	v29 =	vperm.xlane v25, v7;
	s0 =	simm.s32 $0x5100  }
0x167: {  	[tilespmem:s0], [sflag:$0x2] =	stream.indirect_vreg.gather [hbm4b:s31+s4], $0x80, v28, vm0, $0xb8;
	[tilespmem:$0x11000] =	vst v63  }
0x168: {  	v28 =	vadd.s32 v3, v29;
	v29 =	vperm.xlane v25, v8;
	s0 =	simm.s32 $0x5180  }
0x169: {  	[tilespmem:s0], [sflag:$0x2] =	stream.indirect_vreg.gather [hbm4b:s31+s4], $0x80, v26, vm0, $0xb8;
	[tilespmem:$0x11000] =	vst v63  }
0x16a: {  	v26 =	vadd.s32 v3, v29;
	v29 =	vperm.xlane v25, v1;
	s0 =	simm.s32 $0x5200  }
0x16b: {  	[tilespmem:s0], [sflag:$0x2] =	stream.indirect_vreg.gather [hbm4b:s31+s4], $0x80, v27, vm0, $0xb8;
	[tilespmem:$0x11000] =	vst v63  }
0x16c: {  	v27 =	vadd.s32 v3, v29;
	v29 =	vperm.xlane v25, v9;
	s0 =	simm.s32 $0x5280  }
0x16d: {  	[tilespmem:s0], [sflag:$0x2] =	stream.indirect_vreg.gather [hbm4b:s31+s4], $0x80, v28, vm0, $0xb8;
	[tilespmem:$0x11000] =	vst v63  }
0x16e: {  	v28 =	vadd.s32 v3, v29;
	v29 =	vperm.xlane v25, v10;
	s0 =	simm.s32 $0x5300  }
0x16f: {  	[tilespmem:s0], [sflag:$0x2] =	stream.indirect_vreg.gather [hbm4b:s31+s4], $0x80, v26, vm0, $0xb8;
	[tilespmem:$0x11000] =	vst v63  }
0x170: {  	v26 =	vadd.s32 v3, v29;
	v29 =	vperm.xlane v25, v11;
	s0 =	simm.s32 $0x5380  }
0x171: {  	[tilespmem:s0], [sflag:$0x2] =	stream.indirect_vreg.gather [hbm4b:s31+s4], $0x80, v27, vm0, $0xb8;
	[tilespmem:$0x11000] =	vst v63  }
0x172: {  	v27 =	vadd.s32 v3, v29;
	v29 =	vperm.xlane v25, v13;
	s0 =	simm.s32 $0x5400  }
0x173: {  	[tilespmem:s0], [sflag:$0x2] =	stream.indirect_vreg.gather [hbm4b:s31+s4], $0x80, v28, vm0, $0xb8;
	[tilespmem:$0x11000] =	vst v63  }
0x174: {  	v28 =	vadd.s32 v3, v29;
	v29 =	vperm.xlane v25, v14;
	s0 =	simm.s32 $0x5480  }
0x175: {  	[tilespmem:s0], [sflag:$0x2] =	stream.indirect_vreg.gather [hbm4b:s31+s4], $0x80, v26, vm0, $0xb8;
	[tilespmem:$0x11000] =	vst v63  }
0x176: {  	v26 =	vadd.s32 v3, v29;
	v29 =	vperm.xlane v25, v15;
	s0 =	simm.s32 $0x5500  }
0x177: {  	[tilespmem:s0], [sflag:$0x2] =	stream.indirect_vreg.gather [hbm4b:s31+s4], $0x80, v27, vm0, $0xb8;
	[tilespmem:$0x11000] =	vst v63  }
0x178: {  	v27 =	vadd.s32 v3, v29;
	v29 =	vperm.xlane v25, v16;
	s0 =	simm.s32 $0x5580  }
0x179: {  	[tilespmem:s0], [sflag:$0x2] =	stream.indirect_vreg.gather [hbm4b:s31+s4], $0x80, v28, vm0, $0xb8;
	[tilespmem:$0x11000] =	vst v63  }
0x17a: {  	v25 =	vperm.xlane v25, v17;
	v28 =	vadd.s32 v3, v29;
	s0 =	simm.s32 $0x5600  }
0x17b: {  	[tilespmem:s0], [sflag:$0x2] =	stream.indirect_vreg.gather [hbm4b:s31+s4], $0x80, v26, vm0, $0xb8;
	[tilespmem:$0x11000] =	vst v63  }
0x17c: {  	v25 =	vadd.s32 v3, v25;
	s0 =	simm.s32 $0x5680  }
0x17d: {  	[tilespmem:s0], [sflag:$0x2] =	stream.indirect_vreg.gather [hbm4b:s31+s4], $0x80, v27, vm0, $0xb8;
	[tilespmem:$0x11000] =	vst v63  }
0x17e: {  	s0 =	simm.s32 $0x5700  }
0x17f: {  	[tilespmem:s0], [sflag:$0x2] =	stream.indirect_vreg.gather [hbm4b:s31+s4], $0x80, v28, vm0, $0xb8;
	[tilespmem:$0x11000] =	vst v63  }
0x180: {  	s0 =	simm.s32 $0x5780  }
0x181: {  	[tilespmem:s0], [sflag:$0x2] =	stream.indirect_vreg.gather [hbm4b:s31+s4], $0x80, v25, vm0, $0xb8;
	[tilespmem:$0x11000] =	vst v63  }
0x182: {  	v25 =	vld [tilespmem:s5+$0x10];
	_ =	sdelay $0x4  }
0x183: {  	v26 =	vshrl.u32 v25, $0x3  }
0x184: {  	v26 =	vmul.u32 $0x4E8, v26  }
0x185: {  	v25 =	vand.u32 $0x7, v25  }
0x186: {  	v25 =	vor.u32 v25, v26  }
0x187: {  	v26 =	vperm.xlane v25, v2;
	_ =	sdelay $0x1  }
0x188: {  	v27 =	vperm.xlane v25, v4;
	v26 =	vadd.s32 v3, v26;
	_ =	sdelay $0x1  }
0x189: {  	v28 =	vperm.xlane v25, v5;
	v27 =	vadd.s32 v3, v27;
	_ =	sdelay $0x1  }
0x18a: {  	s0 =	simm.s32 $0x5800;
	v29 =	vperm.xlane v25, v0;
	v28 =	vadd.s32 v3, v28  }
0x18b: {  	[tilespmem:s0], [sflag:$0x2] =	stream.indirect_vreg.gather [hbm4b:s31+s4], $0x80, v26, vm0, $0xb8;
	[tilespmem:$0x11000] =	vst v63  }
0x18c: {  	v26 =	vadd.s32 v3, v29;
	v29 =	vperm.xlane v25, v6;
	s0 =	simm.s32 $0x5880  }
0x18d: {  	[tilespmem:s0], [sflag:$0x2] =	stream.indirect_vreg.gather [hbm4b:s31+s4], $0x80, v27, vm0, $0xb8;
	[tilespmem:$0x11000] =	vst v63  }
0x18e: {  	v27 =	vadd.s32 v3, v29;
	v29 =	vperm.xlane v25, v7;
	s0 =	simm.s32 $0x5900  }
0x18f: {  	[tilespmem:s0], [sflag:$0x2] =	stream.indirect_vreg.gather [hbm4b:s31+s4], $0x80, v28, vm0, $0xb8;
	[tilespmem:$0x11000] =	vst v63  }
0x190: {  	v28 =	vadd.s32 v3, v29;
	v29 =	vperm.xlane v25, v8;
	s0 =	simm.s32 $0x5980  }
0x191: {  	[tilespmem:s0], [sflag:$0x2] =	stream.indirect_vreg.gather [hbm4b:s31+s4], $0x80, v26, vm0, $0xb8;
	[tilespmem:$0x11000] =	vst v63  }
0x192: {  	v26 =	vadd.s32 v3, v29;
	v29 =	vperm.xlane v25, v1;
	s0 =	simm.s32 $0x5A00  }
0x193: {  	[tilespmem:s0], [sflag:$0x2] =	stream.indirect_vreg.gather [hbm4b:s31+s4], $0x80, v27, vm0, $0xb8;
	[tilespmem:$0x11000] =	vst v63  }
0x194: {  	v27 =	vadd.s32 v3, v29;
	v29 =	vperm.xlane v25, v9;
	s0 =	simm.s32 $0x5A80  }
0x195: {  	[tilespmem:s0], [sflag:$0x2] =	stream.indirect_vreg.gather [hbm4b:s31+s4], $0x80, v28, vm0, $0xb8;
	[tilespmem:$0x11000] =	vst v63  }
0x196: {  	v28 =	vadd.s32 v3, v29;
	v29 =	vperm.xlane v25, v10;
	s0 =	simm.s32 $0x5B00  }
0x197: {  	[tilespmem:s0], [sflag:$0x2] =	stream.indirect_vreg.gather [hbm4b:s31+s4], $0x80, v26, vm0, $0xb8;
	[tilespmem:$0x11000] =	vst v63  }
0x198: {  	v26 =	vadd.s32 v3, v29;
	v29 =	vperm.xlane v25, v11;
	s0 =	simm.s32 $0x5B80  }
0x199: {  	[tilespmem:s0], [sflag:$0x2] =	stream.indirect_vreg.gather [hbm4b:s31+s4], $0x80, v27, vm0, $0xb8;
	[tilespmem:$0x11000] =	vst v63  }
0x19a: {  	v27 =	vadd.s32 v3, v29;
	v29 =	vperm.xlane v25, v13;
	s0 =	simm.s32 $0x5C00  }
0x19b: {  	[tilespmem:s0], [sflag:$0x2] =	stream.indirect_vreg.gather [hbm4b:s31+s4], $0x80, v28, vm0, $0xb8;
	[tilespmem:$0x11000] =	vst v63  }
0x19c: {  	v28 =	vadd.s32 v3, v29;
	v29 =	vperm.xlane v25, v14;
	s0 =	simm.s32 $0x5C80  }
0x19d: {  	[tilespmem:s0], [sflag:$0x2] =	stream.indirect_vreg.gather [hbm4b:s31+s4], $0x80, v26, vm0, $0xb8;
	[tilespmem:$0x11000] =	vst v63  }
0x19e: {  	v26 =	vadd.s32 v3, v29;
	v29 =	vperm.xlane v25, v15;
	s0 =	simm.s32 $0x5D00  }
0x19f: {  	[tilespmem:s0], [sflag:$0x2] =	stream.indirect_vreg.gather [hbm4b:s31+s4], $0x80, v27, vm0, $0xb8;
	[tilespmem:$0x11000] =	vst v63  }
0x1a0: {  	v27 =	vadd.s32 v3, v29;
	v29 =	vperm.xlane v25, v16;
	s0 =	simm.s32 $0x5D80  }
0x1a1: {  	[tilespmem:s0], [sflag:$0x2] =	stream.indirect_vreg.gather [hbm4b:s31+s4], $0x80, v28, vm0, $0xb8;
	[tilespmem:$0x11000] =	vst v63  }
0x1a2: {  	v25 =	vperm.xlane v25, v17;
	v28 =	vadd.s32 v3, v29;
	s0 =	simm.s32 $0x5E00  }
0x1a3: {  	[tilespmem:s0], [sflag:$0x2] =	stream.indirect_vreg.gather [hbm4b:s31+s4], $0x80, v26, vm0, $0xb8;
	[tilespmem:$0x11000] =	vst v63  }
0x1a4: {  	v25 =	vadd.s32 v3, v25;
	s0 =	simm.s32 $0x5E80  }
0x1a5: {  	[tilespmem:s0], [sflag:$0x2] =	stream.indirect_vreg.gather [hbm4b:s31+s4], $0x80, v27, vm0, $0xb8;
	[tilespmem:$0x11000] =	vst v63  }
0x1a6: {  	s0 =	simm.s32 $0x5F00  }
0x1a7: {  	[tilespmem:s0], [sflag:$0x2] =	stream.indirect_vreg.gather [hbm4b:s31+s4], $0x80, v28, vm0, $0xb8;
	[tilespmem:$0x11000] =	vst v63  }
0x1a8: {  	s0 =	simm.s32 $0x5F80  }
0x1a9: {  	[tilespmem:s0], [sflag:$0x2] =	stream.indirect_vreg.gather [hbm4b:s31+s4], $0x80, v25, vm0, $0xb8;
	[tilespmem:$0x11000] =	vst v63  }
0x1aa: {  	v25 =	vld [tilespmem:s5+$0x20];
	_ =	sdelay $0x4  }
0x1ab: {  	v26 =	vshrl.u32 v25, $0x3  }
0x1ac: {  	v26 =	vmul.u32 $0x4E8, v26  }
0x1ad: {  	v25 =	vand.u32 $0x7, v25  }
0x1ae: {  	v25 =	vor.u32 v25, v26  }
0x1af: {  	v26 =	vperm.xlane v25, v2;
	_ =	sdelay $0x1  }
0x1b0: {  	v27 =	vperm.xlane v25, v4;
	v26 =	vadd.s32 v3, v26;
	_ =	sdelay $0x1  }
0x1b1: {  	v28 =	vperm.xlane v25, v5;
	v27 =	vadd.s32 v3, v27;
	_ =	sdelay $0x1  }
0x1b2: {  	s0 =	simm.s32 $0x6000;
	v29 =	vperm.xlane v25, v0;
	v28 =	vadd.s32 v3, v28  }
0x1b3: {  	[tilespmem:s0], [sflag:$0x2] =	stream.indirect_vreg.gather [hbm4b:s31+s4], $0x80, v26, vm0, $0xb8;
	[tilespmem:$0x11000] =	vst v63  }
0x1b4: {  	v26 =	vadd.s32 v3, v29;
	v29 =	vperm.xlane v25, v6;
	s0 =	simm.s32 $0x6080  }
0x1b5: {  	[tilespmem:s0], [sflag:$0x2] =	stream.indirect_vreg.gather [hbm4b:s31+s4], $0x80, v27, vm0, $0xb8;
	[tilespmem:$0x11000] =	vst v63  }
0x1b6: {  	v27 =	vadd.s32 v3, v29;
	v29 =	vperm.xlane v25, v7;
	s0 =	simm.s32 $0x6100  }
0x1b7: {  	[tilespmem:s0], [sflag:$0x2] =	stream.indirect_vreg.gather [hbm4b:s31+s4], $0x80, v28, vm0, $0xb8;
	[tilespmem:$0x11000] =	vst v63  }
0x1b8: {  	v28 =	vadd.s32 v3, v29;
	v29 =	vperm.xlane v25, v8;
	s0 =	simm.s32 $0x6180  }
0x1b9: {  	[tilespmem:s0], [sflag:$0x2] =	stream.indirect_vreg.gather [hbm4b:s31+s4], $0x80, v26, vm0, $0xb8;
	[tilespmem:$0x11000] =	vst v63  }
0x1ba: {  	v26 =	vadd.s32 v3, v29;
	v29 =	vperm.xlane v25, v1;
	s0 =	simm.s32 $0x6200  }
0x1bb: {  	[tilespmem:s0], [sflag:$0x2] =	stream.indirect_vreg.gather [hbm4b:s31+s4], $0x80, v27, vm0, $0xb8;
	[tilespmem:$0x11000] =	vst v63  }
0x1bc: {  	v27 =	vadd.s32 v3, v29;
	v29 =	vperm.xlane v25, v9;
	s0 =	simm.s32 $0x6280  }
0x1bd: {  	[tilespmem:s0], [sflag:$0x2] =	stream.indirect_vreg.gather [hbm4b:s31+s4], $0x80, v28, vm0, $0xb8;
	[tilespmem:$0x11000] =	vst v63  }
0x1be: {  	v28 =	vadd.s32 v3, v29;
	v29 =	vperm.xlane v25, v10;
	s0 =	simm.s32 $0x6300  }
0x1bf: {  	[tilespmem:s0], [sflag:$0x2] =	stream.indirect_vreg.gather [hbm4b:s31+s4], $0x80, v26, vm0, $0xb8;
	[tilespmem:$0x11000] =	vst v63  }
0x1c0: {  	v26 =	vadd.s32 v3, v29;
	v29 =	vperm.xlane v25, v11;
	s0 =	simm.s32 $0x6380  }
0x1c1: {  	[tilespmem:s0], [sflag:$0x2] =	stream.indirect_vreg.gather [hbm4b:s31+s4], $0x80, v27, vm0, $0xb8;
	[tilespmem:$0x11000] =	vst v63  }
0x1c2: {  	v27 =	vadd.s32 v3, v29;
	v29 =	vperm.xlane v25, v13;
	s0 =	simm.s32 $0x6400  }
0x1c3: {  	[tilespmem:s0], [sflag:$0x2] =	stream.indirect_vreg.gather [hbm4b:s31+s4], $0x80, v28, vm0, $0xb8;
	[tilespmem:$0x11000] =	vst v63  }
0x1c4: {  	v28 =	vadd.s32 v3, v29;
	v29 =	vperm.xlane v25, v14;
	s0 =	simm.s32 $0x6480  }
0x1c5: {  	[tilespmem:s0], [sflag:$0x2] =	stream.indirect_vreg.gather [hbm4b:s31+s4], $0x80, v26, vm0, $0xb8;
	[tilespmem:$0x11000] =	vst v63  }
0x1c6: {  	v26 =	vadd.s32 v3, v29;
	v29 =	vperm.xlane v25, v15;
	s0 =	simm.s32 $0x6500  }
0x1c7: {  	[tilespmem:s0], [sflag:$0x2] =	stream.indirect_vreg.gather [hbm4b:s31+s4], $0x80, v27, vm0, $0xb8;
	[tilespmem:$0x11000] =	vst v63  }
0x1c8: {  	v27 =	vadd.s32 v3, v29;
	v29 =	vperm.xlane v25, v16;
	s0 =	simm.s32 $0x6580  }
0x1c9: {  	[tilespmem:s0], [sflag:$0x2] =	stream.indirect_vreg.gather [hbm4b:s31+s4], $0x80, v28, vm0, $0xb8;
	[tilespmem:$0x11000] =	vst v63  }
0x1ca: {  	v25 =	vperm.xlane v25, v17;
	v28 =	vadd.s32 v3, v29;
	s0 =	simm.s32 $0x6600  }
0x1cb: {  	[tilespmem:s0], [sflag:$0x2] =	stream.indirect_vreg.gather [hbm4b:s31+s4], $0x80, v26, vm0, $0xb8;
	[tilespmem:$0x11000] =	vst v63  }
0x1cc: {  	v25 =	vadd.s32 v3, v25;
	s0 =	simm.s32 $0x6680  }
0x1cd: {  	[tilespmem:s0], [sflag:$0x2] =	stream.indirect_vreg.gather [hbm4b:s31+s4], $0x80, v27, vm0, $0xb8;
	[tilespmem:$0x11000] =	vst v63  }
0x1ce: {  	s0 =	simm.s32 $0x6700  }
0x1cf: {  	[tilespmem:s0], [sflag:$0x2] =	stream.indirect_vreg.gather [hbm4b:s31+s4], $0x80, v28, vm0, $0xb8;
	[tilespmem:$0x11000] =	vst v63  }
0x1d0: {  	s0 =	simm.s32 $0x6780  }
0x1d1: {  	[tilespmem:s0], [sflag:$0x2] =	stream.indirect_vreg.gather [hbm4b:s31+s4], $0x80, v25, vm0, $0xb8;
	[tilespmem:$0x11000] =	vst v63  }
0x1d2: {  	v25 =	vld [tilespmem:s5+$0x30];
	_ =	sdelay $0x4  }
0x1d3: {  	v26 =	vshrl.u32 v25, $0x3  }
0x1d4: {  	v26 =	vmul.u32 $0x4E8, v26  }
0x1d5: {  	v25 =	vand.u32 $0x7, v25  }
0x1d6: {  	v25 =	vor.u32 v25, v26  }
0x1d7: {  	v26 =	vperm.xlane v25, v2;
	_ =	sdelay $0x1  }
0x1d8: {  	v27 =	vperm.xlane v25, v4;
	v26 =	vadd.s32 v3, v26;
	_ =	sdelay $0x1  }
0x1d9: {  	v28 =	vperm.xlane v25, v5;
	v27 =	vadd.s32 v3, v27;
	_ =	sdelay $0x1  }
0x1da: {  	s0 =	simm.s32 $0x6800;
	v29 =	vperm.xlane v25, v0;
	v28 =	vadd.s32 v3, v28  }
0x1db: {  	[tilespmem:s0], [sflag:$0x2] =	stream.indirect_vreg.gather [hbm4b:s31+s4], $0x80, v26, vm0, $0xb8;
	[tilespmem:$0x11000] =	vst v63  }
0x1dc: {  	v26 =	vadd.s32 v3, v29;
	v29 =	vperm.xlane v25, v6;
	s0 =	simm.s32 $0x6880  }
0x1dd: {  	[tilespmem:s0], [sflag:$0x2] =	stream.indirect_vreg.gather [hbm4b:s31+s4], $0x80, v27, vm0, $0xb8;
	[tilespmem:$0x11000] =	vst v63  }
0x1de: {  	v27 =	vadd.s32 v3, v29;
	v29 =	vperm.xlane v25, v7;
	s0 =	simm.s32 $0x6900  }
0x1df: {  	[tilespmem:s0], [sflag:$0x2] =	stream.indirect_vreg.gather [hbm4b:s31+s4], $0x80, v28, vm0, $0xb8;
	[tilespmem:$0x11000] =	vst v63  }
0x1e0: {  	v28 =	vadd.s32 v3, v29;
	v29 =	vperm.xlane v25, v8;
	s0 =	simm.s32 $0x6980  }
0x1e1: {  	[tilespmem:s0], [sflag:$0x2] =	stream.indirect_vreg.gather [hbm4b:s31+s4], $0x80, v26, vm0, $0xb8;
	[tilespmem:$0x11000] =	vst v63  }
0x1e2: {  	v26 =	vadd.s32 v3, v29;
	v29 =	vperm.xlane v25, v1;
	s0 =	simm.s32 $0x6A00  }
0x1e3: {  	[tilespmem:s0], [sflag:$0x2] =	stream.indirect_vreg.gather [hbm4b:s31+s4], $0x80, v27, vm0, $0xb8;
	[tilespmem:$0x11000] =	vst v63  }
0x1e4: {  	v27 =	vadd.s32 v3, v29;
	v29 =	vperm.xlane v25, v9;
	s0 =	simm.s32 $0x6A80  }
0x1e5: {  	[tilespmem:s0], [sflag:$0x2] =	stream.indirect_vreg.gather [hbm4b:s31+s4], $0x80, v28, vm0, $0xb8;
	[tilespmem:$0x11000] =	vst v63  }
0x1e6: {  	v28 =	vadd.s32 v3, v29;
	v29 =	vperm.xlane v25, v10;
	s0 =	simm.s32 $0x6B00  }
0x1e7: {  	[tilespmem:s0], [sflag:$0x2] =	stream.indirect_vreg.gather [hbm4b:s31+s4], $0x80, v26, vm0, $0xb8;
	[tilespmem:$0x11000] =	vst v63  }
0x1e8: {  	v26 =	vadd.s32 v3, v29;
	v29 =	vperm.xlane v25, v11;
	s0 =	simm.s32 $0x6B80  }
0x1e9: {  	[tilespmem:s0], [sflag:$0x2] =	stream.indirect_vreg.gather [hbm4b:s31+s4], $0x80, v27, vm0, $0xb8;
	[tilespmem:$0x11000] =	vst v63  }
0x1ea: {  	v27 =	vadd.s32 v3, v29;
	v29 =	vperm.xlane v25, v13;
	s0 =	simm.s32 $0x6C00  }
0x1eb: {  	[tilespmem:s0], [sflag:$0x2] =	stream.indirect_vreg.gather [hbm4b:s31+s4], $0x80, v28, vm0, $0xb8;
	[tilespmem:$0x11000] =	vst v63  }
0x1ec: {  	v28 =	vadd.s32 v3, v29;
	v29 =	vperm.xlane v25, v14;
	s0 =	simm.s32 $0x6C80  }
0x1ed: {  	[tilespmem:s0], [sflag:$0x2] =	stream.indirect_vreg.gather [hbm4b:s31+s4], $0x80, v26, vm0, $0xb8;
	[tilespmem:$0x11000] =	vst v63  }
0x1ee: {  	v26 =	vadd.s32 v3, v29;
	v29 =	vperm.xlane v25, v15;
	s0 =	simm.s32 $0x6D00  }
0x1ef: {  	[tilespmem:s0], [sflag:$0x2] =	stream.indirect_vreg.gather [hbm4b:s31+s4], $0x80, v27, vm0, $0xb8;
	[tilespmem:$0x11000] =	vst v63  }
0x1f0: {  	v27 =	vadd.s32 v3, v29;
	v29 =	vperm.xlane v25, v16;
	s0 =	simm.s32 $0x6D80  }
0x1f1: {  	[tilespmem:s0], [sflag:$0x2] =	stream.indirect_vreg.gather [hbm4b:s31+s4], $0x80, v28, vm0, $0xb8;
	[tilespmem:$0x11000] =	vst v63  }
0x1f2: {  	v25 =	vperm.xlane v25, v17;
	v28 =	vadd.s32 v3, v29;
	s0 =	simm.s32 $0x6E00  }
0x1f3: {  	[tilespmem:s0], [sflag:$0x2] =	stream.indirect_vreg.gather [hbm4b:s31+s4], $0x80, v26, vm0, $0xb8;
	[tilespmem:$0x11000] =	vst v63  }
0x1f4: {  	v25 =	vadd.s32 v3, v25;
	s0 =	simm.s32 $0x6E80  }
0x1f5: {  	[tilespmem:s0], [sflag:$0x2] =	stream.indirect_vreg.gather [hbm4b:s31+s4], $0x80, v27, vm0, $0xb8;
	[tilespmem:$0x11000] =	vst v63  }
0x1f6: {  	s0 =	simm.s32 $0x6F00  }
0x1f7: {  	[tilespmem:s0], [sflag:$0x2] =	stream.indirect_vreg.gather [hbm4b:s31+s4], $0x80, v28, vm0, $0xb8;
	[tilespmem:$0x11000] =	vst v63  }
0x1f8: {  	s0 =	simm.s32 $0x6F80  }
0x1f9: {  	[tilespmem:s0], [sflag:$0x2] =	stream.indirect_vreg.gather [hbm4b:s31+s4], $0x80, v25, vm0, $0xb8;
	[tilespmem:$0x11000] =	vst v63  }
0x1fa: {  	v25 =	vld [tilespmem:s5+$0x40];
	_ =	sdelay $0x4  }
0x1fb: {  	v26 =	vshrl.u32 v25, $0x3  }
0x1fc: {  	v26 =	vmul.u32 $0x4E8, v26  }
0x1fd: {  	v25 =	vand.u32 $0x7, v25  }
0x1fe: {  	v25 =	vor.u32 v25, v26  }
0x1ff: {  	v26 =	vperm.xlane v25, v2;
	_ =	sdelay $0x1  }
0x200: {  	v27 =	vperm.xlane v25, v4;
	v26 =	vadd.s32 v3, v26;
	_ =	sdelay $0x1  }
0x201: {  	v28 =	vperm.xlane v25, v5;
	v27 =	vadd.s32 v3, v27;
	_ =	sdelay $0x1  }
0x202: {  	s0 =	simm.s32 $0x7000;
	v29 =	vperm.xlane v25, v0;
	v28 =	vadd.s32 v3, v28  }
0x203: {  	[tilespmem:s0], [sflag:$0x2] =	stream.indirect_vreg.gather [hbm4b:s31+s4], $0x80, v26, vm0, $0xb8;
	[tilespmem:$0x11000] =	vst v63  }
0x204: {  	v26 =	vadd.s32 v3, v29;
	v29 =	vperm.xlane v25, v6;
	s0 =	simm.s32 $0x7080  }
0x205: {  	[tilespmem:s0], [sflag:$0x2] =	stream.indirect_vreg.gather [hbm4b:s31+s4], $0x80, v27, vm0, $0xb8;
	[tilespmem:$0x11000] =	vst v63  }
0x206: {  	v27 =	vadd.s32 v3, v29;
	v29 =	vperm.xlane v25, v7;
	s0 =	simm.s32 $0x7100  }
0x207: {  	[tilespmem:s0], [sflag:$0x2] =	stream.indirect_vreg.gather [hbm4b:s31+s4], $0x80, v28, vm0, $0xb8;
	[tilespmem:$0x11000] =	vst v63  }
0x208: {  	v28 =	vadd.s32 v3, v29;
	v29 =	vperm.xlane v25, v8;
	s0 =	simm.s32 $0x7180  }
0x209: {  	[tilespmem:s0], [sflag:$0x2] =	stream.indirect_vreg.gather [hbm4b:s31+s4], $0x80, v26, vm0, $0xb8;
	[tilespmem:$0x11000] =	vst v63  }
0x20a: {  	v26 =	vadd.s32 v3, v29;
	v29 =	vperm.xlane v25, v1;
	s0 =	simm.s32 $0x7200  }
0x20b: {  	[tilespmem:s0], [sflag:$0x2] =	stream.indirect_vreg.gather [hbm4b:s31+s4], $0x80, v27, vm0, $0xb8;
	[tilespmem:$0x11000] =	vst v63  }
0x20c: {  	v27 =	vadd.s32 v3, v29;
	v29 =	vperm.xlane v25, v9;
	s0 =	simm.s32 $0x7280  }
0x20d: {  	[tilespmem:s0], [sflag:$0x2] =	stream.indirect_vreg.gather [hbm4b:s31+s4], $0x80, v28, vm0, $0xb8;
	[tilespmem:$0x11000] =	vst v63  }
0x20e: {  	v28 =	vadd.s32 v3, v29;
	v29 =	vperm.xlane v25, v10;
	s0 =	simm.s32 $0x7300  }
0x20f: {  	[tilespmem:s0], [sflag:$0x2] =	stream.indirect_vreg.gather [hbm4b:s31+s4], $0x80, v26, vm0, $0xb8;
	[tilespmem:$0x11000] =	vst v63  }
0x210: {  	v26 =	vadd.s32 v3, v29;
	v29 =	vperm.xlane v25, v11;
	s0 =	simm.s32 $0x7380  }
0x211: {  	[tilespmem:s0], [sflag:$0x2] =	stream.indirect_vreg.gather [hbm4b:s31+s4], $0x80, v27, vm0, $0xb8;
	[tilespmem:$0x11000] =	vst v63  }
0x212: {  	v27 =	vadd.s32 v3, v29;
	v29 =	vperm.xlane v25, v13;
	s0 =	simm.s32 $0x7400  }
0x213: {  	[tilespmem:s0], [sflag:$0x2] =	stream.indirect_vreg.gather [hbm4b:s31+s4], $0x80, v28, vm0, $0xb8;
	[tilespmem:$0x11000] =	vst v63  }
0x214: {  	v28 =	vadd.s32 v3, v29;
	v29 =	vperm.xlane v25, v14;
	s0 =	simm.s32 $0x7480  }
0x215: {  	[tilespmem:s0], [sflag:$0x2] =	stream.indirect_vreg.gather [hbm4b:s31+s4], $0x80, v26, vm0, $0xb8;
	[tilespmem:$0x11000] =	vst v63  }
0x216: {  	v26 =	vadd.s32 v3, v29;
	v29 =	vperm.xlane v25, v15;
	s0 =	simm.s32 $0x7500  }
0x217: {  	[tilespmem:s0], [sflag:$0x2] =	stream.indirect_vreg.gather [hbm4b:s31+s4], $0x80, v27, vm0, $0xb8;
	[tilespmem:$0x11000] =	vst v63  }
0x218: {  	v27 =	vadd.s32 v3, v29;
	v29 =	vperm.xlane v25, v16;
	s0 =	simm.s32 $0x7580  }
0x219: {  	[tilespmem:s0], [sflag:$0x2] =	stream.indirect_vreg.gather [hbm4b:s31+s4], $0x80, v28, vm0, $0xb8;
	[tilespmem:$0x11000] =	vst v63  }
0x21a: {  	v25 =	vperm.xlane v25, v17;
	v28 =	vadd.s32 v3, v29;
	s0 =	simm.s32 $0x7600  }
0x21b: {  	[tilespmem:s0], [sflag:$0x2] =	stream.indirect_vreg.gather [hbm4b:s31+s4], $0x80, v26, vm0, $0xb8;
	[tilespmem:$0x11000] =	vst v63  }
0x21c: {  	v25 =	vadd.s32 v3, v25;
	s0 =	simm.s32 $0x7680  }
0x21d: {  	[tilespmem:s0], [sflag:$0x2] =	stream.indirect_vreg.gather [hbm4b:s31+s4], $0x80, v27, vm0, $0xb8;
	[tilespmem:$0x11000] =	vst v63  }
0x21e: {  	s0 =	simm.s32 $0x7700  }
0x21f: {  	[tilespmem:s0], [sflag:$0x2] =	stream.indirect_vreg.gather [hbm4b:s31+s4], $0x80, v28, vm0, $0xb8;
	[tilespmem:$0x11000] =	vst v63  }
0x220: {  	s0 =	simm.s32 $0x7780  }
0x221: {  	[tilespmem:s0], [sflag:$0x2] =	stream.indirect_vreg.gather [hbm4b:s31+s4], $0x80, v25, vm0, $0xb8;
	[tilespmem:$0x11000] =	vst v63  }
0x222: {  	v25 =	vld [tilespmem:s5+$0x50];
	_ =	sdelay $0x4  }
0x223: {  	v26 =	vshrl.u32 v25, $0x3  }
0x224: {  	v26 =	vmul.u32 $0x4E8, v26  }
0x225: {  	v25 =	vand.u32 $0x7, v25  }
0x226: {  	v25 =	vor.u32 v25, v26  }
0x227: {  	v26 =	vperm.xlane v25, v2;
	_ =	sdelay $0x1  }
0x228: {  	v27 =	vperm.xlane v25, v4;
	v26 =	vadd.s32 v3, v26;
	_ =	sdelay $0x1  }
0x229: {  	v28 =	vperm.xlane v25, v5;
	v27 =	vadd.s32 v3, v27;
	_ =	sdelay $0x1  }
0x22a: {  	s0 =	simm.s32 $0x7800;
	v29 =	vperm.xlane v25, v0;
	v28 =	vadd.s32 v3, v28  }
0x22b: {  	[tilespmem:s0], [sflag:$0x2] =	stream.indirect_vreg.gather [hbm4b:s31+s4], $0x80, v26, vm0, $0xb8;
	[tilespmem:$0x11000] =	vst v63  }
0x22c: {  	v26 =	vadd.s32 v3, v29;
	v29 =	vperm.xlane v25, v6;
	s0 =	simm.s32 $0x7880  }
0x22d: {  	[tilespmem:s0], [sflag:$0x2] =	stream.indirect_vreg.gather [hbm4b:s31+s4], $0x80, v27, vm0, $0xb8;
	[tilespmem:$0x11000] =	vst v63  }
0x22e: {  	v27 =	vadd.s32 v3, v29;
	v29 =	vperm.xlane v25, v7;
	s0 =	simm.s32 $0x7900  }
0x22f: {  	[tilespmem:s0], [sflag:$0x2] =	stream.indirect_vreg.gather [hbm4b:s31+s4], $0x80, v28, vm0, $0xb8;
	[tilespmem:$0x11000] =	vst v63  }
0x230: {  	v28 =	vadd.s32 v3, v29;
	v29 =	vperm.xlane v25, v8;
	s0 =	simm.s32 $0x7980  }
0x231: {  	[tilespmem:s0], [sflag:$0x2] =	stream.indirect_vreg.gather [hbm4b:s31+s4], $0x80, v26, vm0, $0xb8;
	[tilespmem:$0x11000] =	vst v63  }
0x232: {  	v26 =	vadd.s32 v3, v29;
	v29 =	vperm.xlane v25, v1;
	s0 =	simm.s32 $0x7A00  }
0x233: {  	[tilespmem:s0], [sflag:$0x2] =	stream.indirect_vreg.gather [hbm4b:s31+s4], $0x80, v27, vm0, $0xb8;
	[tilespmem:$0x11000] =	vst v63  }
0x234: {  	v27 =	vadd.s32 v3, v29;
	v29 =	vperm.xlane v25, v9;
	s0 =	simm.s32 $0x7A80  }
0x235: {  	[tilespmem:s0], [sflag:$0x2] =	stream.indirect_vreg.gather [hbm4b:s31+s4], $0x80, v28, vm0, $0xb8;
	[tilespmem:$0x11000] =	vst v63  }
0x236: {  	v28 =	vadd.s32 v3, v29;
	v29 =	vperm.xlane v25, v10;
	s0 =	simm.s32 $0x7B00  }
0x237: {  	[tilespmem:s0], [sflag:$0x2] =	stream.indirect_vreg.gather [hbm4b:s31+s4], $0x80, v26, vm0, $0xb8;
	[tilespmem:$0x11000] =	vst v63  }
0x238: {  	v26 =	vadd.s32 v3, v29;
	v29 =	vperm.xlane v25, v11;
	s0 =	simm.s32 $0x7B80  }
0x239: {  	[tilespmem:s0], [sflag:$0x2] =	stream.indirect_vreg.gather [hbm4b:s31+s4], $0x80, v27, vm0, $0xb8;
	[tilespmem:$0x11000] =	vst v63  }
0x23a: {  	v27 =	vadd.s32 v3, v29;
	v29 =	vperm.xlane v25, v13;
	s0 =	simm.s32 $0x7C00  }
0x23b: {  	[tilespmem:s0], [sflag:$0x2] =	stream.indirect_vreg.gather [hbm4b:s31+s4], $0x80, v28, vm0, $0xb8;
	[tilespmem:$0x11000] =	vst v63  }
0x23c: {  	v28 =	vadd.s32 v3, v29;
	v29 =	vperm.xlane v25, v14;
	s0 =	simm.s32 $0x7C80  }
0x23d: {  	[tilespmem:s0], [sflag:$0x2] =	stream.indirect_vreg.gather [hbm4b:s31+s4], $0x80, v26, vm0, $0xb8;
	[tilespmem:$0x11000] =	vst v63  }
0x23e: {  	v26 =	vadd.s32 v3, v29;
	v29 =	vperm.xlane v25, v15;
	s0 =	simm.s32 $0x7D00  }
0x23f: {  	[tilespmem:s0], [sflag:$0x2] =	stream.indirect_vreg.gather [hbm4b:s31+s4], $0x80, v27, vm0, $0xb8;
	[tilespmem:$0x11000] =	vst v63  }
0x240: {  	v27 =	vadd.s32 v3, v29;
	v29 =	vperm.xlane v25, v16;
	s0 =	simm.s32 $0x7D80  }
0x241: {  	[tilespmem:s0], [sflag:$0x2] =	stream.indirect_vreg.gather [hbm4b:s31+s4], $0x80, v28, vm0, $0xb8;
	[tilespmem:$0x11000] =	vst v63  }
0x242: {  	v25 =	vperm.xlane v25, v17;
	v28 =	vadd.s32 v3, v29;
	s0 =	simm.s32 $0x7E00  }
0x243: {  	[tilespmem:s0], [sflag:$0x2] =	stream.indirect_vreg.gather [hbm4b:s31+s4], $0x80, v26, vm0, $0xb8;
	[tilespmem:$0x11000] =	vst v63  }
0x244: {  	v25 =	vadd.s32 v3, v25;
	s0 =	simm.s32 $0x7E80  }
0x245: {  	[tilespmem:s0], [sflag:$0x2] =	stream.indirect_vreg.gather [hbm4b:s31+s4], $0x80, v27, vm0, $0xb8;
	[tilespmem:$0x11000] =	vst v63  }
0x246: {  	s0 =	simm.s32 $0x7F00  }
0x247: {  	[tilespmem:s0], [sflag:$0x2] =	stream.indirect_vreg.gather [hbm4b:s31+s4], $0x80, v28, vm0, $0xb8;
	[tilespmem:$0x11000] =	vst v63  }
0x248: {  	s0 =	simm.s32 $0x7F80  }
0x249: {  	[tilespmem:s0], [sflag:$0x2] =	stream.indirect_vreg.gather [hbm4b:s31+s4], $0x80, v25, vm0, $0xb8;
	[tilespmem:$0x11000] =	vst v63  }
0x24a: {  	v25 =	vld [tilespmem:s5+$0x60];
	_ =	sdelay $0x4  }
0x24b: {  	v26 =	vshrl.u32 v25, $0x3  }
0x24c: {  	v26 =	vmul.u32 $0x4E8, v26  }
0x24d: {  	v25 =	vand.u32 $0x7, v25  }
0x24e: {  	v25 =	vor.u32 v25, v26  }
0x24f: {  	v26 =	vperm.xlane v25, v2;
	_ =	sdelay $0x1  }
0x250: {  	v27 =	vperm.xlane v25, v4;
	v26 =	vadd.s32 v3, v26;
	_ =	sdelay $0x1  }
0x251: {  	v28 =	vperm.xlane v25, v5;
	v27 =	vadd.s32 v3, v27;
	_ =	sdelay $0x1  }
0x252: {  	v29 =	vperm.xlane v25, v0;
	v28 =	vadd.s32 v3, v28  }
0x253: {  	[tilespmem:s7], [sflag:$0x2] =	stream.indirect_vreg.gather [hbm4b:s31+s4], $0x80, v26, vm0, $0xb8;
	[tilespmem:$0x11000] =	vst v63  }
0x254: {  	s0 =	simm.s32 $0x8080;
	v26 =	vadd.s32 v3, v29;
	v29 =	vperm.xlane v25, v6  }
0x255: {  	[tilespmem:s0], [sflag:$0x2] =	stream.indirect_vreg.gather [hbm4b:s31+s4], $0x80, v27, vm0, $0xb8;
	[tilespmem:$0x11000] =	vst v63  }
0x256: {  	v27 =	vadd.s32 v3, v29;
	v29 =	vperm.xlane v25, v7;
	s0 =	simm.s32 $0x8100  }
0x257: {  	[tilespmem:s0], [sflag:$0x2] =	stream.indirect_vreg.gather [hbm4b:s31+s4], $0x80, v28, vm0, $0xb8;
	[tilespmem:$0x11000] =	vst v63  }
0x258: {  	v28 =	vadd.s32 v3, v29;
	v29 =	vperm.xlane v25, v8;
	s0 =	simm.s32 $0x8180  }
0x259: {  	[tilespmem:s0], [sflag:$0x2] =	stream.indirect_vreg.gather [hbm4b:s31+s4], $0x80, v26, vm0, $0xb8;
	[tilespmem:$0x11000] =	vst v63  }
0x25a: {  	v26 =	vadd.s32 v3, v29;
	v29 =	vperm.xlane v25, v1;
	s0 =	simm.s32 $0x8200  }
0x25b: {  	[tilespmem:s0], [sflag:$0x2] =	stream.indirect_vreg.gather [hbm4b:s31+s4], $0x80, v27, vm0, $0xb8;
	[tilespmem:$0x11000] =	vst v63  }
0x25c: {  	v27 =	vadd.s32 v3, v29;
	v29 =	vperm.xlane v25, v9;
	s0 =	simm.s32 $0x8280  }
0x25d: {  	[tilespmem:s0], [sflag:$0x2] =	stream.indirect_vreg.gather [hbm4b:s31+s4], $0x80, v28, vm0, $0xb8;
	[tilespmem:$0x11000] =	vst v63  }
0x25e: {  	v28 =	vadd.s32 v3, v29;
	v29 =	vperm.xlane v25, v10;
	s0 =	simm.s32 $0x8300  }
0x25f: {  	[tilespmem:s0], [sflag:$0x2] =	stream.indirect_vreg.gather [hbm4b:s31+s4], $0x80, v26, vm0, $0xb8;
	[tilespmem:$0x11000] =	vst v63  }
0x260: {  	v26 =	vadd.s32 v3, v29;
	v29 =	vperm.xlane v25, v11;
	s0 =	simm.s32 $0x8380  }
0x261: {  	[tilespmem:s0], [sflag:$0x2] =	stream.indirect_vreg.gather [hbm4b:s31+s4], $0x80, v27, vm0, $0xb8;
	[tilespmem:$0x11000] =	vst v63  }
0x262: {  	v27 =	vadd.s32 v3, v29;
	v29 =	vperm.xlane v25, v13;
	s0 =	simm.s32 $0x8400  }
0x263: {  	[tilespmem:s0], [sflag:$0x2] =	stream.indirect_vreg.gather [hbm4b:s31+s4], $0x80, v28, vm0, $0xb8;
	[tilespmem:$0x11000] =	vst v63  }
0x264: {  	v28 =	vadd.s32 v3, v29;
	v29 =	vperm.xlane v25, v14;
	s0 =	simm.s32 $0x8480  }
0x265: {  	[tilespmem:s0], [sflag:$0x2] =	stream.indirect_vreg.gather [hbm4b:s31+s4], $0x80, v26, vm0, $0xb8;
	[tilespmem:$0x11000] =	vst v63  }
0x266: {  	v26 =	vadd.s32 v3, v29;
	v29 =	vperm.xlane v25, v15;
	s0 =	simm.s32 $0x8500  }
0x267: {  	[tilespmem:s0], [sflag:$0x2] =	stream.indirect_vreg.gather [hbm4b:s31+s4], $0x80, v27, vm0, $0xb8;
	[tilespmem:$0x11000] =	vst v63  }
0x268: {  	v27 =	vadd.s32 v3, v29;
	v29 =	vperm.xlane v25, v16;
	s0 =	simm.s32 $0x8580  }
0x269: {  	[tilespmem:s0], [sflag:$0x2] =	stream.indirect_vreg.gather [hbm4b:s31+s4], $0x80, v28, vm0, $0xb8;
	[tilespmem:$0x11000] =	vst v63  }
0x26a: {  	v25 =	vperm.xlane v25, v17;
	v28 =	vadd.s32 v3, v29;
	s0 =	simm.s32 $0x8600  }
0x26b: {  	[tilespmem:s0], [sflag:$0x2] =	stream.indirect_vreg.gather [hbm4b:s31+s4], $0x80, v26, vm0, $0xb8;
	[tilespmem:$0x11000] =	vst v63  }
0x26c: {  	v25 =	vadd.s32 v3, v25;
	s0 =	simm.s32 $0x8680  }
0x26d: {  	[tilespmem:s0], [sflag:$0x2] =	stream.indirect_vreg.gather [hbm4b:s31+s4], $0x80, v27, vm0, $0xb8;
	[tilespmem:$0x11000] =	vst v63  }
0x26e: {  	s0 =	simm.s32 $0x8700  }
0x26f: {  	[tilespmem:s0], [sflag:$0x2] =	stream.indirect_vreg.gather [hbm4b:s31+s4], $0x80, v28, vm0, $0xb8;
	[tilespmem:$0x11000] =	vst v63  }
0x270: {  	s0 =	simm.s32 $0x8780  }
0x271: {  	[tilespmem:s0], [sflag:$0x2] =	stream.indirect_vreg.gather [hbm4b:s31+s4], $0x80, v25, vm0, $0xb8;
	[tilespmem:$0x11000] =	vst v63  }
0x272: {  	v25 =	vld [tilespmem:s5+$0x70];
	_ =	sdelay $0x4  }
0x273: {  	v26 =	vshrl.u32 v25, $0x3  }
0x274: {  	v26 =	vmul.u32 $0x4E8, v26  }
0x275: {  	v25 =	vand.u32 $0x7, v25  }
0x276: {  	v25 =	vor.u32 v25, v26  }
0x277: {  	v26 =	vperm.xlane v25, v2;
	_ =	sdelay $0x1  }
0x278: {  	v27 =	vperm.xlane v25, v4;
	v26 =	vadd.s32 v3, v26;
	_ =	sdelay $0x1  }
0x279: {  	v28 =	vperm.xlane v25, v5;
	v27 =	vadd.s32 v3, v27;
	_ =	sdelay $0x1  }
0x27a: {  	s0 =	simm.s32 $0x8800;
	v29 =	vperm.xlane v25, v0;
	v28 =	vadd.s32 v3, v28  }
0x27b: {  	[tilespmem:s0], [sflag:$0x2] =	stream.indirect_vreg.gather [hbm4b:s31+s4], $0x80, v26, vm0, $0xb8;
	[tilespmem:$0x11000] =	vst v63  }
0x27c: {  	v26 =	vadd.s32 v3, v29;
	v29 =	vperm.xlane v25, v6  }
0x27d: {  	[tilespmem:s3], [sflag:$0x2] =	stream.indirect_vreg.gather [hbm4b:s31+s4], $0x80, v27, vm0, $0xb8;
	[tilespmem:$0x11000] =	vst v63  }
0x27e: {  	v27 =	vadd.s32 v3, v29;
	v29 =	vperm.xlane v25, v7  }
0x27f: {  	[tilespmem:s16], [sflag:$0x2] =	stream.indirect_vreg.gather [hbm4b:s31+s4], $0x80, v28, vm0, $0xb8;
	[tilespmem:$0x11000] =	vst v63  }
0x280: {  	v28 =	vadd.s32 v3, v29;
	v29 =	vperm.xlane v25, v8  }
0x281: {  	[tilespmem:s26], [sflag:$0x2] =	stream.indirect_vreg.gather [hbm4b:s31+s4], $0x80, v26, vm0, $0xb8;
	[tilespmem:$0x11000] =	vst v63  }
0x282: {  	v26 =	vadd.s32 v3, v29;
	v29 =	vperm.xlane v25, v1  }
0x283: {  	[tilespmem:s25], [sflag:$0x2] =	stream.indirect_vreg.gather [hbm4b:s31+s4], $0x80, v27, vm0, $0xb8;
	[tilespmem:$0x11000] =	vst v63  }
0x284: {  	v27 =	vadd.s32 v3, v29;
	v29 =	vperm.xlane v25, v9  }
0x285: {  	[tilespmem:s24], [sflag:$0x2] =	stream.indirect_vreg.gather [hbm4b:s31+s4], $0x80, v28, vm0, $0xb8;
	[tilespmem:$0x11000] =	vst v63  }
0x286: {  	v28 =	vadd.s32 v3, v29;
	v29 =	vperm.xlane v25, v10  }
0x287: {  	[tilespmem:s18], [sflag:$0x2] =	stream.indirect_vreg.gather [hbm4b:s31+s4], $0x80, v26, vm0, $0xb8;
	[tilespmem:$0x11000] =	vst v63  }
0x288: {  	v26 =	vadd.s32 v3, v29;
	v29 =	vperm.xlane v25, v11  }
0x289: {  	[tilespmem:s21], [sflag:$0x2] =	stream.indirect_vreg.gather [hbm4b:s31+s4], $0x80, v27, vm0, $0xb8;
	[tilespmem:$0x11000] =	vst v63  }
0x28a: {  	v27 =	vadd.s32 v3, v29;
	v29 =	vperm.xlane v25, v13  }
0x28b: {  	[tilespmem:s23], [sflag:$0x2] =	stream.indirect_vreg.gather [hbm4b:s31+s4], $0x80, v28, vm0, $0xb8;
	[tilespmem:$0x11000] =	vst v63  }
0x28c: {  	v28 =	vadd.s32 v3, v29;
	v29 =	vperm.xlane v25, v14  }
0x28d: {  	[tilespmem:s22], [sflag:$0x2] =	stream.indirect_vreg.gather [hbm4b:s31+s4], $0x80, v26, vm0, $0xb8;
	[tilespmem:$0x11000] =	vst v63  }
0x28e: {  	v26 =	vadd.s32 v3, v29  }
0x28f: {  	v29 =	vperm.xlane v25, v15;
	[tilespmem:s20], [sflag:$0x2] =	stream.indirect_vreg.gather [hbm4b:s31+s4], $0x80, v27, vm0, $0xb8;
	[tilespmem:$0x11000] =	vst v63  }
0x290: {  	_ = 	snop  }
0x291: {  	v27 =	vadd.s32 v3, v29;
	[tilespmem:s19], [sflag:$0x2] =	stream.indirect_vreg.gather [hbm4b:s31+s4], $0x80, v28, vm0, $0xb8;
	v28 =	vperm.xlane v25, v16;
	[tilespmem:$0x11000] =	vst v63  }
0x292: {  	s0 =	simm.s32 $0x8E00  }
0x293: {  	[tilespmem:s0], [sflag:$0x2] =	stream.indirect_vreg.gather [hbm4b:s31+s4], $0x80, v26, vm0, $0xb8;
	v26 =	vadd.s32 v3, v28;
	[tilespmem:$0x11000] =	vst v63  }
0x294: {  	v25 =	vperm.xlane v25, v17  }
0x295: {  	s0 =	simm.s32 $0x0  }
0x296: {  	v25 =	vadd.s32 v3, v25;
	[tilespmem:s17], [sflag:$0x2] =	stream.indirect_vreg.gather [hbm4b:s31+s4], $0x80, v27, vm0, $0xb8;
	[tilespmem:$0x11000] =	vst v63  }
0x297: {  	v27 =	vmov s0  }
0x298: {  	[tilespmem:s15], [sflag:$0x2] =	stream.indirect_vreg.gather [hbm4b:s31+s4], $0x80, v26, vm0, $0xb8;
	v26 =	vand.u32 $0x7F, v27;
	[tilespmem:$0x11000] =	vst v63  }
0x299: {  	v27 =	vbroadcast v26, $0x0  }
0x29a: {  	p0 =	seq.s32 s29, $0x0  }
0x29b: {  	[tilespmem:s11], [sflag:$0x2] =	stream.indirect_vreg.gather [hbm4b:s31+s4], $0x80, v25, vm0, $0xb8;
	v25 =	vor.u32 v12, v27;
	[tilespmem:$0x11000] =	vst v63  }
0x29c: {  	s0 =	simm.s32 @!p0 $0x3  }
0x29d: {  	_ =	swait.ge @!p0 [sflag:s0], $0x4000  }
0x29e: {  	[sflag:s0] =	ssyncset.done @!p0 $0x0  }
0x29f: {  	[sflag:s0] =	ssyncadd.s32 @!p0 $0xFFFFC000  }
0x2a0: {  	v25 =	vld.idx.msk [tilespmem:v25+s10+$0x0], $0xffff  }
0x2a1: {  	v26 =	vor.u32 v18, v27;
	_ =	sdelay $0x2  }
0x2a2: {  	s31 =	simm.s32 $0x9040  }
0x2a3: {  	[tilespmem:s31+$0xFFFFFFC0] =	vst v25  }
0x2a4: {  	v25 =	vld.idx.msk [tilespmem:v26+s10+$0x0], $0xffff  }
0x2a5: {  	v26 =	vor.u32 v19, v27;
	_ =	sdelay $0x3  }
0x2a6: {  	[tilespmem:s31+$0xFFFFFFD0] =	vst v25  }
0x2a7: {  	v25 =	vld.idx.msk [tilespmem:v26+s10+$0x0], $0xffff  }
0x2a8: {  	v26 =	vor.u32 v20, v27;
	_ =	sdelay $0x3  }
0x2a9: {  	[tilespmem:s31+$0xFFFFFFE0] =	vst v25  }
0x2aa: {  	v25 =	vld.idx.msk [tilespmem:v26+s10+$0x0], $0xffff  }
0x2ab: {  	v26 =	vor.u32 v21, v27;
	_ =	sdelay $0x3  }
0x2ac: {  	[tilespmem:s31+$0xFFFFFFF0] =	vst v25  }
0x2ad: {  	v25 =	vld.idx.msk [tilespmem:v26+s10+$0x0], $0xffff  }
0x2ae: {  	v26 =	vor.u32 v22, v27;
	_ =	sdelay $0x3  }
0x2af: {  	[tilespmem:s31+$0x0] =	vst v25  }
0x2b0: {  	v25 =	vld.idx.msk [tilespmem:v26+s10+$0x0], $0xffff  }
0x2b1: {  	v26 =	vor.u32 v23, v27;
	_ =	sdelay $0x3  }
0x2b2: {  	[tilespmem:s31+$0x10] =	vst v25  }
0x2b3: {  	v26 =	vld.idx.msk [tilespmem:v26+s10+$0x0], $0xffff  }
0x2b4: {  	v25 =	vor.u32 v24, v27;
	_ =	sdelay $0x1  }
0x2b5: {  	s0 =	simm.s32 $0x1  }
0x2b6: {  	v27 =	vmov s0;
	s0 =	simm.s32 $0x2  }
.LBB2_3:
0x2b7: {  	p1 =	sne.s32 s0, $0x7F;
	v27 =	vand.u32 $0x7F, v27;
	[tilespmem:s31+$0x20] =	vst v26  }
0x2b8: {  	v27 =	vbroadcast v27, $0x0;
	v25 =	vld.idx.msk [tilespmem:v25+s10+$0x0], $0xffff;
	_ =	sdelay $0x1  }
0x2b9: {  	v26 =	vor.u32 v12, v27;
	_ =	sdelay $0x3  }
0x2ba: {  	[tilespmem:s31+$0x30] =	vst v25  }
0x2bb: {  	v25 =	vld.idx.msk [tilespmem:v26+s10+$0x0], $0xffff;
	_ =	sdelay $0x1  }
0x2bc: {  	v26 =	vor.u32 v18, v27;
	_ =	sdelay $0x2  }
0x2bd: {  	s31 =	sadd.s32 $0x80, s31  }
0x2be: {  	[tilespmem:s31+$0xFFFFFFC0] =	vst v25  }
0x2bf: {  	v25 =	vld.idx.msk [tilespmem:v26+s10+$0x0], $0xffff;
	_ =	sdelay $0x1  }
0x2c0: {  	v26 =	vor.u32 v19, v27;
	_ =	sdelay $0x3  }
0x2c1: {  	[tilespmem:s31+$0xFFFFFFD0] =	vst v25  }
0x2c2: {  	v25 =	vld.idx.msk [tilespmem:v26+s10+$0x0], $0xffff;
	_ =	sdelay $0x1  }
0x2c3: {  	v26 =	vor.u32 v20, v27;
	_ =	sdelay $0x3  }
0x2c4: {  	[tilespmem:s31+$0xFFFFFFE0] =	vst v25  }
0x2c5: {  	v25 =	vld.idx.msk [tilespmem:v26+s10+$0x0], $0xffff;
	_ =	sdelay $0x1  }
0x2c6: {  	v26 =	vor.u32 v21, v27;
	_ =	sdelay $0x3  }
0x2c7: {  	[tilespmem:s31+$0xFFFFFFF0] =	vst v25  }
0x2c8: {  	v25 =	vld.idx.msk [tilespmem:v26+s10+$0x0], $0xffff;
	_ =	sdelay $0x1  }
0x2c9: {  	v26 =	vor.u32 v22, v27;
	_ =	sdelay $0x3  }
0x2ca: {  	[tilespmem:s31+$0x0] =	vst v25  }
0x2cb: {  	v25 =	vld.idx.msk [tilespmem:v26+s10+$0x0], $0xffff;
	_ =	sdelay $0x1  }
0x2cc: {  	v26 =	vor.u32 v23, v27;
	_ =	sdelay $0x3  }
0x2cd: {  	[tilespmem:s31+$0x10] =	vst v25  }
0x2ce: {  	v26 =	vld.idx.msk [tilespmem:v26+s10+$0x0], $0xffff  }
.Ltmp0:
0x2cf: {  	(pc) =	sbr.rel @p1 .LBB2_3-.Ltmp0, $2  }
0x2d0: {  	v25 =	vor.u32 v24, v27;
	_ =	sdelay $0x2  }
0x2d1: {  	v27 =	vmov s0;
	s0 =	sadd.s32 $0x1, s0  }
0x2d2: {  	_ =	sdelay $0x1  }
0x2d3: {  	v27 =	vand.u32 $0x7F, v27  }
0x2d4: {  	[tilespmem:s31+$0x20] =	vst v26;
	v26 =	vbroadcast v27, $0x0  }
0x2d5: {  	v25 =	vld.idx.msk [tilespmem:v25+s10+$0x0], $0xffff  }
0x2d6: {  	v27 =	vor.u32 v12, v26;
	_ =	sdelay $0x3  }
0x2d7: {  	[tilespmem:s31+$0x30] =	vst v25  }
0x2d8: {  	v25 =	vld.idx.msk [tilespmem:v27+s10+$0x0], $0xffff  }
0x2d9: {  	v27 =	vor.u32 v18, v26;
	_ =	sdelay $0x2  }
0x2da: {  	s0 =	sadd.s32 $0x80, s31  }
0x2db: {  	[tilespmem:s0+$0xFFFFFFC0] =	vst v25  }
0x2dc: {  	v25 =	vld.idx.msk [tilespmem:v27+s10+$0x0], $0xffff  }
0x2dd: {  	v27 =	vor.u32 v19, v26;
	_ =	sdelay $0x3  }
0x2de: {  	[tilespmem:s0+$0xFFFFFFD0] =	vst v25  }
0x2df: {  	v25 =	vld.idx.msk [tilespmem:v27+s10+$0x0], $0xffff  }
0x2e0: {  	v27 =	vor.u32 v20, v26;
	_ =	sdelay $0x3  }
0x2e1: {  	[tilespmem:s0+$0xFFFFFFE0] =	vst v25  }
0x2e2: {  	v25 =	vld.idx.msk [tilespmem:v27+s10+$0x0], $0xffff  }
0x2e3: {  	v27 =	vor.u32 v21, v26;
	_ =	sdelay $0x3  }
0x2e4: {  	[tilespmem:s0+$0xFFFFFFF0] =	vst v25  }
0x2e5: {  	v25 =	vld.idx.msk [tilespmem:v27+s10+$0x0], $0xffff  }
0x2e6: {  	v27 =	vor.u32 v22, v26;
	_ =	sdelay $0x3  }
0x2e7: {  	[tilespmem:s0+$0x0] =	vst v25  }
0x2e8: {  	v25 =	vld.idx.msk [tilespmem:v27+s10+$0x0], $0xffff  }
0x2e9: {  	v27 =	vor.u32 v23, v26;
	_ =	sdelay $0x3  }
0x2ea: {  	[tilespmem:s0+$0x10] =	vst v25  }
0x2eb: {  	v25 =	vld.idx.msk [tilespmem:v27+s10+$0x0], $0xffff  }
0x2ec: {  	v26 =	vor.u32 v24, v26;
	_ =	sdelay $0x3  }
0x2ed: {  	[tilespmem:s0+$0x20] =	vst v25  }
0x2ee: {  	v25 =	vld.idx.msk [tilespmem:v26+s10+$0x0], $0xffff;
	_ =	sdelay $0x3  }
0x2ef: {  	p1 =	seq.s32 s29, $0x4D;
	s31 =	sshll.u32 s29, $0x11  }
.Ltmp1:
0x2f0: {  	s31 =	sadd.s32 s31, s6;
	[tilespmem:s0+$0x30] =	vst v25;
	(pc) =	sbr.rel @p1 .LBB2_6-.Ltmp1, $4  }
0x2f1: {  	[hbm4b:s31+s1] =	stream.strided.scatter [tilespmem:s8], [sflag:$0x3], $0x4000, s7, s1, $0x38;
	[tilespmem:$0x11000] =	vst v63  }
0x2f2: {  	_ =	swait.ge [sflag:s9], $0x4000  }
0x2f3: {  	[sflag:s9] =	ssyncset.done $0x0  }
0x2f4: {  	[sflag:s9] =	ssyncadd.s32 $0xFFFFC000  }
0x2f5: {  	v25 =	vld [tilespmem:s5+$0x0];
	_ =	sdelay $0x4  }
0x2f6: {  	v26 =	vshrl.u32 v25, $0x3  }
0x2f7: {  	v26 =	vmul.u32 $0x4E8, v26  }
0x2f8: {  	v25 =	vand.u32 $0x7, v25  }
0x2f9: {  	v25 =	vor.u32 v25, v26  }
0x2fa: {  	v26 =	vperm.xlane v25, v2;
	_ =	sdelay $0x1  }
0x2fb: {  	v27 =	vperm.xlane v25, v4;
	v26 =	vadd.s32 v3, v26;
	_ =	sdelay $0x1  }
0x2fc: {  	v28 =	vperm.xlane v25, v5;
	v27 =	vadd.s32 v3, v27  }
0x2fd: {  	s0 =	sshll.u32 s29, $0x8;
	s31 =	rddreg [dreg:$0x4]  }
0x2fe: {  	s31 =	sadd.s32 s0, s31;
	v29 =	vperm.xlane v25, v0;
	v28 =	vadd.s32 v3, v28  }
0x2ff: {  	[tilespmem:s10], [sflag:$0x1] =	stream.indirect_vreg.gather [hbm4b:s31+s4], $0x80, v26, vm0, $0xb8;
	[tilespmem:$0x11000] =	vst v63  }
0x300: {  	s0 =	simm.s32 $0x1080;
	v58 =	vperm.xlane v25, v6;
	v26 =	vadd.s32 v3, v29  }
0x301: {  	[tilespmem:s0], [sflag:$0x1] =	stream.indirect_vreg.gather [hbm4b:s31+s4], $0x80, v27, vm0, $0xb8;
	[tilespmem:$0x11000] =	vst v63  }
0x302: {  	v59 =	vperm.xlane v25, v7;
	v27 =	vadd.s32 v3, v58;
	s0 =	simm.s32 $0x1100  }
0x303: {  	[tilespmem:s0], [sflag:$0x1] =	stream.indirect_vreg.gather [hbm4b:s31+s4], $0x80, v28, vm0, $0xb8;
	[tilespmem:$0x11000] =	vst v63  }
0x304: {  	v61 =	vperm.xlane v25, v8;
	v60 =	vadd.s32 v3, v59;
	s0 =	simm.s32 $0x1180  }
0x305: {  	[tilespmem:s0], [sflag:$0x1] =	stream.indirect_vreg.gather [hbm4b:s31+s4], $0x80, v26, vm0, $0xb8;
	[tilespmem:$0x11000] =	vst v63  }
0x306: {  	v62 =	vperm.xlane v25, v1;
	v26 =	vadd.s32 v3, v61;
	s0 =	simm.s32 $0x1200  }
0x307: {  	[tilespmem:s0], [sflag:$0x1] =	stream.indirect_vreg.gather [hbm4b:s31+s4], $0x80, v27, vm0, $0xb8;
	[tilespmem:$0x11000] =	vst v63  }
0x308: {  	v63 =	vperm.xlane v25, v9;
	v27 =	vadd.s32 v3, v62;
	s0 =	simm.s32 $0x1280  }
0x309: {  	[tilespmem:s0], [sflag:$0x1] =	stream.indirect_vreg.gather [hbm4b:s31+s4], $0x80, v60, vm0, $0xb8;
	[tilespmem:$0x11000] =	vst v63  }
0x30a: {  	v33 =	vperm.xlane v25, v10;
	v32 =	vadd.s32 v3, v63;
	s0 =	simm.s32 $0x1300  }
0x30b: {  	[tilespmem:s0], [sflag:$0x1] =	stream.indirect_vreg.gather [hbm4b:s31+s4], $0x80, v26, vm0, $0xb8;
	[tilespmem:$0x11000] =	vst v63  }
0x30c: {  	v34 =	vperm.xlane v25, v11;
	v26 =	vadd.s32 v3, v33;
	s0 =	simm.s32 $0x1380  }
0x30d: {  	[tilespmem:s0], [sflag:$0x1] =	stream.indirect_vreg.gather [hbm4b:s31+s4], $0x80, v27, vm0, $0xb8;
	[tilespmem:$0x11000] =	vst v63  }
0x30e: {  	v35 =	vperm.xlane v25, v13;
	v27 =	vadd.s32 v3, v34;
	s0 =	simm.s32 $0x1400  }
0x30f: {  	[tilespmem:s0], [sflag:$0x1] =	stream.indirect_vreg.gather [hbm4b:s31+s4], $0x80, v32, vm0, $0xb8;
	[tilespmem:$0x11000] =	vst v63  }
0x310: {  	v37 =	vperm.xlane v25, v14;
	v36 =	vadd.s32 v3, v35;
	s0 =	simm.s32 $0x1480  }
0x311: {  	[tilespmem:s0], [sflag:$0x1] =	stream.indirect_vreg.gather [hbm4b:s31+s4], $0x80, v26, vm0, $0xb8;
	[tilespmem:$0x11000] =	vst v63  }
0x312: {  	v38 =	vperm.xlane v25, v15;
	v26 =	vadd.s32 v3, v37;
	s0 =	simm.s32 $0x1500  }
0x313: {  	[tilespmem:s0], [sflag:$0x1] =	stream.indirect_vreg.gather [hbm4b:s31+s4], $0x80, v27, vm0, $0xb8;
	[tilespmem:$0x11000] =	vst v63  }
0x314: {  	v39 =	vperm.xlane v25, v16;
	v27 =	vadd.s32 v3, v38;
	s0 =	simm.s32 $0x1580  }
0x315: {  	[tilespmem:s0], [sflag:$0x1] =	stream.indirect_vreg.gather [hbm4b:s31+s4], $0x80, v36, vm0, $0xb8;
	[tilespmem:$0x11000] =	vst v63  }
0x316: {  	v25 =	vperm.xlane v25, v17;
	v40 =	vadd.s32 v3, v39;
	s0 =	simm.s32 $0x1600  }
0x317: {  	[tilespmem:s0], [sflag:$0x1] =	stream.indirect_vreg.gather [hbm4b:s31+s4], $0x80, v26, vm0, $0xb8;
	[tilespmem:$0x11000] =	vst v63  }
0x318: {  	v25 =	vadd.s32 v3, v25;
	s0 =	simm.s32 $0x1680  }
0x319: {  	[tilespmem:s0], [sflag:$0x1] =	stream.indirect_vreg.gather [hbm4b:s31+s4], $0x80, v27, vm0, $0xb8;
	[tilespmem:$0x11000] =	vst v63  }
0x31a: {  	s0 =	simm.s32 $0x1700  }
0x31b: {  	[tilespmem:s0], [sflag:$0x1] =	stream.indirect_vreg.gather [hbm4b:s31+s4], $0x80, v40, vm0, $0xb8;
	[tilespmem:$0x11000] =	vst v63  }
0x31c: {  	s0 =	simm.s32 $0x1780  }
0x31d: {  	[tilespmem:s0], [sflag:$0x1] =	stream.indirect_vreg.gather [hbm4b:s31+s4], $0x80, v25, vm0, $0xb8;
	[tilespmem:$0x11000] =	vst v63  }
0x31e: {  	v25 =	vld [tilespmem:s5+$0x10];
	_ =	sdelay $0x4  }
0x31f: {  	v26 =	vshrl.u32 v25, $0x3  }
0x320: {  	v26 =	vmul.u32 $0x4E8, v26  }
0x321: {  	v25 =	vand.u32 $0x7, v25  }
0x322: {  	v25 =	vor.u32 v25, v26  }
0x323: {  	v26 =	vperm.xlane v25, v2;
	_ =	sdelay $0x1  }
0x324: {  	v27 =	vperm.xlane v25, v4;
	v26 =	vadd.s32 v3, v26;
	_ =	sdelay $0x1  }
0x325: {  	v41 =	vperm.xlane v25, v5;
	v27 =	vadd.s32 v3, v27;
	_ =	sdelay $0x1  }
0x326: {  	s0 =	simm.s32 $0x1800;
	v42 =	vperm.xlane v25, v0;
	v28 =	vadd.s32 v3, v41  }
0x327: {  	[tilespmem:s0], [sflag:$0x1] =	stream.indirect_vreg.gather [hbm4b:s31+s4], $0x80, v26, vm0, $0xb8;
	[tilespmem:$0x11000] =	vst v63  }
0x328: {  	v43 =	vperm.xlane v25, v6;
	v26 =	vadd.s32 v3, v42;
	s0 =	simm.s32 $0x1880  }
0x329: {  	[tilespmem:s0], [sflag:$0x1] =	stream.indirect_vreg.gather [hbm4b:s31+s4], $0x80, v27, vm0, $0xb8;
	[tilespmem:$0x11000] =	vst v63  }
0x32a: {  	v44 =	vperm.xlane v25, v7;
	v27 =	vadd.s32 v3, v43;
	s0 =	simm.s32 $0x1900  }
0x32b: {  	[tilespmem:s0], [sflag:$0x1] =	stream.indirect_vreg.gather [hbm4b:s31+s4], $0x80, v28, vm0, $0xb8;
	[tilespmem:$0x11000] =	vst v63  }
0x32c: {  	v46 =	vperm.xlane v25, v8;
	v45 =	vadd.s32 v3, v44;
	s0 =	simm.s32 $0x1980  }
0x32d: {  	[tilespmem:s0], [sflag:$0x1] =	stream.indirect_vreg.gather [hbm4b:s31+s4], $0x80, v26, vm0, $0xb8;
	[tilespmem:$0x11000] =	vst v63  }
0x32e: {  	v47 =	vperm.xlane v25, v1;
	v26 =	vadd.s32 v3, v46;
	s0 =	simm.s32 $0x1A00  }
0x32f: {  	[tilespmem:s0], [sflag:$0x1] =	stream.indirect_vreg.gather [hbm4b:s31+s4], $0x80, v27, vm0, $0xb8;
	[tilespmem:$0x11000] =	vst v63  }
0x330: {  	v48 =	vperm.xlane v25, v9;
	v27 =	vadd.s32 v3, v47;
	s0 =	simm.s32 $0x1A80  }
0x331: {  	[tilespmem:s0], [sflag:$0x1] =	stream.indirect_vreg.gather [hbm4b:s31+s4], $0x80, v45, vm0, $0xb8;
	[tilespmem:$0x11000] =	vst v63  }
0x332: {  	v50 =	vperm.xlane v25, v10;
	v49 =	vadd.s32 v3, v48;
	s0 =	simm.s32 $0x1B00  }
0x333: {  	[tilespmem:s0], [sflag:$0x1] =	stream.indirect_vreg.gather [hbm4b:s31+s4], $0x80, v26, vm0, $0xb8;
	[tilespmem:$0x11000] =	vst v63  }
0x334: {  	v51 =	vperm.xlane v25, v11;
	v26 =	vadd.s32 v3, v50;
	s0 =	simm.s32 $0x1B80  }
0x335: {  	[tilespmem:s0], [sflag:$0x1] =	stream.indirect_vreg.gather [hbm4b:s31+s4], $0x80, v27, vm0, $0xb8;
	[tilespmem:$0x11000] =	vst v63  }
0x336: {  	v52 =	vperm.xlane v25, v13;
	v27 =	vadd.s32 v3, v51;
	s0 =	simm.s32 $0x1C00  }
0x337: {  	[tilespmem:s0], [sflag:$0x1] =	stream.indirect_vreg.gather [hbm4b:s31+s4], $0x80, v49, vm0, $0xb8;
	[tilespmem:$0x11000] =	vst v63  }
0x338: {  	v54 =	vperm.xlane v25, v14;
	v53 =	vadd.s32 v3, v52;
	s0 =	simm.s32 $0x1C80  }
0x339: {  	[tilespmem:s0], [sflag:$0x1] =	stream.indirect_vreg.gather [hbm4b:s31+s4], $0x80, v26, vm0, $0xb8;
	[tilespmem:$0x11000] =	vst v63  }
0x33a: {  	v55 =	vperm.xlane v25, v15;
	v26 =	vadd.s32 v3, v54;
	s0 =	simm.s32 $0x1D00  }
0x33b: {  	[tilespmem:s0], [sflag:$0x1] =	stream.indirect_vreg.gather [hbm4b:s31+s4], $0x80, v27, vm0, $0xb8;
	[tilespmem:$0x11000] =	vst v63  }
0x33c: {  	v56 =	vperm.xlane v25, v16;
	v27 =	vadd.s32 v3, v55;
	s0 =	simm.s32 $0x1D80  }
0x33d: {  	[tilespmem:s0], [sflag:$0x1] =	stream.indirect_vreg.gather [hbm4b:s31+s4], $0x80, v53, vm0, $0xb8;
	[tilespmem:$0x11000] =	vst v63  }
0x33e: {  	v25 =	vperm.xlane v25, v17;
	v57 =	vadd.s32 v3, v56;
	s0 =	simm.s32 $0x1E00  }
0x33f: {  	[tilespmem:s0], [sflag:$0x1] =	stream.indirect_vreg.gather [hbm4b:s31+s4], $0x80, v26, vm0, $0xb8;
	[tilespmem:$0x11000] =	vst v63  }
0x340: {  	v25 =	vadd.s32 v3, v25;
	s0 =	simm.s32 $0x1E80  }
0x341: {  	[tilespmem:s0], [sflag:$0x1] =	stream.indirect_vreg.gather [hbm4b:s31+s4], $0x80, v27, vm0, $0xb8;
	[tilespmem:$0x11000] =	vst v63  }
0x342: {  	s0 =	simm.s32 $0x1F00  }
0x343: {  	[tilespmem:s0], [sflag:$0x1] =	stream.indirect_vreg.gather [hbm4b:s31+s4], $0x80, v57, vm0, $0xb8;
	[tilespmem:$0x11000] =	vst v63  }
0x344: {  	s0 =	simm.s32 $0x1F80  }
0x345: {  	[tilespmem:s0], [sflag:$0x1] =	stream.indirect_vreg.gather [hbm4b:s31+s4], $0x80, v25, vm0, $0xb8;
	[tilespmem:$0x11000] =	vst v63  }
0x346: {  	v25 =	vld [tilespmem:s5+$0x20];
	_ =	sdelay $0x4  }
0x347: {  	v26 =	vshrl.u32 v25, $0x3  }
0x348: {  	v26 =	vmul.u32 $0x4E8, v26  }
0x349: {  	v25 =	vand.u32 $0x7, v25  }
0x34a: {  	v25 =	vor.u32 v25, v26  }
0x34b: {  	v26 =	vperm.xlane v25, v2;
	_ =	sdelay $0x1  }
0x34c: {  	v27 =	vperm.xlane v25, v4;
	v26 =	vadd.s32 v3, v26;
	_ =	sdelay $0x1  }
0x34d: {  	v58 =	vperm.xlane v25, v5;
	v27 =	vadd.s32 v3, v27;
	_ =	sdelay $0x1  }
0x34e: {  	s0 =	simm.s32 $0x2000;
	v59 =	vperm.xlane v25, v0;
	v28 =	vadd.s32 v3, v58  }
0x34f: {  	[tilespmem:s0], [sflag:$0x1] =	stream.indirect_vreg.gather [hbm4b:s31+s4], $0x80, v26, vm0, $0xb8;
	[tilespmem:$0x11000] =	vst v63  }
0x350: {  	v60 =	vperm.xlane v25, v6;
	v26 =	vadd.s32 v3, v59;
	s0 =	simm.s32 $0x2080  }
0x351: {  	[tilespmem:s0], [sflag:$0x1] =	stream.indirect_vreg.gather [hbm4b:s31+s4], $0x80, v27, vm0, $0xb8;
	[tilespmem:$0x11000] =	vst v63  }
0x352: {  	v61 =	vperm.xlane v25, v7;
	v27 =	vadd.s32 v3, v60;
	s0 =	simm.s32 $0x2100  }
0x353: {  	[tilespmem:s0], [sflag:$0x1] =	stream.indirect_vreg.gather [hbm4b:s31+s4], $0x80, v28, vm0, $0xb8;
	[tilespmem:$0x11000] =	vst v63  }
0x354: {  	v63 =	vperm.xlane v25, v8;
	v62 =	vadd.s32 v3, v61;
	s0 =	simm.s32 $0x2180  }
0x355: {  	[tilespmem:s0], [sflag:$0x1] =	stream.indirect_vreg.gather [hbm4b:s31+s4], $0x80, v26, vm0, $0xb8;
	[tilespmem:$0x11000] =	vst v63  }
0x356: {  	v32 =	vperm.xlane v25, v1;
	v26 =	vadd.s32 v3, v63;
	s0 =	simm.s32 $0x2200  }
0x357: {  	[tilespmem:s0], [sflag:$0x1] =	stream.indirect_vreg.gather [hbm4b:s31+s4], $0x80, v27, vm0, $0xb8;
	[tilespmem:$0x11000] =	vst v63  }
0x358: {  	v33 =	vperm.xlane v25, v9;
	v27 =	vadd.s32 v3, v32;
	s0 =	simm.s32 $0x2280  }
0x359: {  	[tilespmem:s0], [sflag:$0x1] =	stream.indirect_vreg.gather [hbm4b:s31+s4], $0x80, v62, vm0, $0xb8;
	[tilespmem:$0x11000] =	vst v63  }
0x35a: {  	v35 =	vperm.xlane v25, v10;
	v34 =	vadd.s32 v3, v33;
	s0 =	simm.s32 $0x2300  }
0x35b: {  	[tilespmem:s0], [sflag:$0x1] =	stream.indirect_vreg.gather [hbm4b:s31+s4], $0x80, v26, vm0, $0xb8;
	[tilespmem:$0x11000] =	vst v63  }
0x35c: {  	v36 =	vperm.xlane v25, v11;
	v26 =	vadd.s32 v3, v35;
	s0 =	simm.s32 $0x2380  }
0x35d: {  	[tilespmem:s0], [sflag:$0x1] =	stream.indirect_vreg.gather [hbm4b:s31+s4], $0x80, v27, vm0, $0xb8;
	[tilespmem:$0x11000] =	vst v63  }
0x35e: {  	v37 =	vperm.xlane v25, v13;
	v27 =	vadd.s32 v3, v36;
	s0 =	simm.s32 $0x2400  }
0x35f: {  	[tilespmem:s0], [sflag:$0x1] =	stream.indirect_vreg.gather [hbm4b:s31+s4], $0x80, v34, vm0, $0xb8;
	[tilespmem:$0x11000] =	vst v63  }
0x360: {  	v39 =	vperm.xlane v25, v14;
	v38 =	vadd.s32 v3, v37;
	s0 =	simm.s32 $0x2480  }
0x361: {  	[tilespmem:s0], [sflag:$0x1] =	stream.indirect_vreg.gather [hbm4b:s31+s4], $0x80, v26, vm0, $0xb8;
	[tilespmem:$0x11000] =	vst v63  }
0x362: {  	v40 =	vperm.xlane v25, v15;
	v26 =	vadd.s32 v3, v39;
	s0 =	simm.s32 $0x2500  }
0x363: {  	[tilespmem:s0], [sflag:$0x1] =	stream.indirect_vreg.gather [hbm4b:s31+s4], $0x80, v27, vm0, $0xb8;
	[tilespmem:$0x11000] =	vst v63  }
0x364: {  	v41 =	vperm.xlane v25, v16;
	v27 =	vadd.s32 v3, v40;
	s0 =	simm.s32 $0x2580  }
0x365: {  	[tilespmem:s0], [sflag:$0x1] =	stream.indirect_vreg.gather [hbm4b:s31+s4], $0x80, v38, vm0, $0xb8;
	[tilespmem:$0x11000] =	vst v63  }
0x366: {  	v25 =	vperm.xlane v25, v17;
	v42 =	vadd.s32 v3, v41;
	s0 =	simm.s32 $0x2600  }
0x367: {  	[tilespmem:s0], [sflag:$0x1] =	stream.indirect_vreg.gather [hbm4b:s31+s4], $0x80, v26, vm0, $0xb8;
	[tilespmem:$0x11000] =	vst v63  }
0x368: {  	v25 =	vadd.s32 v3, v25;
	s0 =	simm.s32 $0x2680  }
0x369: {  	[tilespmem:s0], [sflag:$0x1] =	stream.indirect_vreg.gather [hbm4b:s31+s4], $0x80, v27, vm0, $0xb8;
	[tilespmem:$0x11000] =	vst v63  }
0x36a: {  	s0 =	simm.s32 $0x2700  }
0x36b: {  	[tilespmem:s0], [sflag:$0x1] =	stream.indirect_vreg.gather [hbm4b:s31+s4], $0x80, v42, vm0, $0xb8;
	[tilespmem:$0x11000] =	vst v63  }
0x36c: {  	s0 =	simm.s32 $0x2780  }
0x36d: {  	[tilespmem:s0], [sflag:$0x1] =	stream.indirect_vreg.gather [hbm4b:s31+s4], $0x80, v25, vm0, $0xb8;
	[tilespmem:$0x11000] =	vst v63  }
0x36e: {  	v25 =	vld [tilespmem:s5+$0x30];
	_ =	sdelay $0x4  }
0x36f: {  	v26 =	vshrl.u32 v25, $0x3  }
0x370: {  	v26 =	vmul.u32 $0x4E8, v26  }
0x371: {  	v25 =	vand.u32 $0x7, v25  }
0x372: {  	v25 =	vor.u32 v25, v26  }
0x373: {  	v26 =	vperm.xlane v25, v2;
	_ =	sdelay $0x1  }
0x374: {  	v27 =	vperm.xlane v25, v4;
	v26 =	vadd.s32 v3, v26;
	_ =	sdelay $0x1  }
0x375: {  	v43 =	vperm.xlane v25, v5;
	v27 =	vadd.s32 v3, v27;
	_ =	sdelay $0x1  }
0x376: {  	s0 =	simm.s32 $0x2800;
	v44 =	vperm.xlane v25, v0;
	v28 =	vadd.s32 v3, v43  }
0x377: {  	[tilespmem:s0], [sflag:$0x1] =	stream.indirect_vreg.gather [hbm4b:s31+s4], $0x80, v26, vm0, $0xb8;
	[tilespmem:$0x11000] =	vst v63  }
0x378: {  	v45 =	vperm.xlane v25, v6;
	v26 =	vadd.s32 v3, v44;
	s0 =	simm.s32 $0x2880  }
0x379: {  	[tilespmem:s0], [sflag:$0x1] =	stream.indirect_vreg.gather [hbm4b:s31+s4], $0x80, v27, vm0, $0xb8;
	[tilespmem:$0x11000] =	vst v63  }
0x37a: {  	v46 =	vperm.xlane v25, v7;
	v27 =	vadd.s32 v3, v45;
	s0 =	simm.s32 $0x2900  }
0x37b: {  	[tilespmem:s0], [sflag:$0x1] =	stream.indirect_vreg.gather [hbm4b:s31+s4], $0x80, v28, vm0, $0xb8;
	[tilespmem:$0x11000] =	vst v63  }
0x37c: {  	v48 =	vperm.xlane v25, v8;
	v47 =	vadd.s32 v3, v46;
	s0 =	simm.s32 $0x2980  }
0x37d: {  	[tilespmem:s0], [sflag:$0x1] =	stream.indirect_vreg.gather [hbm4b:s31+s4], $0x80, v26, vm0, $0xb8;
	[tilespmem:$0x11000] =	vst v63  }
0x37e: {  	v49 =	vperm.xlane v25, v1;
	v26 =	vadd.s32 v3, v48;
	s0 =	simm.s32 $0x2A00  }
0x37f: {  	[tilespmem:s0], [sflag:$0x1] =	stream.indirect_vreg.gather [hbm4b:s31+s4], $0x80, v27, vm0, $0xb8;
	[tilespmem:$0x11000] =	vst v63  }
0x380: {  	v50 =	vperm.xlane v25, v9;
	v27 =	vadd.s32 v3, v49;
	s0 =	simm.s32 $0x2A80  }
0x381: {  	[tilespmem:s0], [sflag:$0x1] =	stream.indirect_vreg.gather [hbm4b:s31+s4], $0x80, v47, vm0, $0xb8;
	[tilespmem:$0x11000] =	vst v63  }
0x382: {  	v52 =	vperm.xlane v25, v10;
	v51 =	vadd.s32 v3, v50;
	s0 =	simm.s32 $0x2B00  }
0x383: {  	[tilespmem:s0], [sflag:$0x1] =	stream.indirect_vreg.gather [hbm4b:s31+s4], $0x80, v26, vm0, $0xb8;
	[tilespmem:$0x11000] =	vst v63  }
0x384: {  	v53 =	vperm.xlane v25, v11;
	v26 =	vadd.s32 v3, v52;
	s0 =	simm.s32 $0x2B80  }
0x385: {  	[tilespmem:s0], [sflag:$0x1] =	stream.indirect_vreg.gather [hbm4b:s31+s4], $0x80, v27, vm0, $0xb8;
	[tilespmem:$0x11000] =	vst v63  }
0x386: {  	v54 =	vperm.xlane v25, v13;
	v27 =	vadd.s32 v3, v53;
	s0 =	simm.s32 $0x2C00  }
0x387: {  	[tilespmem:s0], [sflag:$0x1] =	stream.indirect_vreg.gather [hbm4b:s31+s4], $0x80, v51, vm0, $0xb8;
	[tilespmem:$0x11000] =	vst v63  }
0x388: {  	v56 =	vperm.xlane v25, v14;
	v55 =	vadd.s32 v3, v54;
	s0 =	simm.s32 $0x2C80  }
0x389: {  	[tilespmem:s0], [sflag:$0x1] =	stream.indirect_vreg.gather [hbm4b:s31+s4], $0x80, v26, vm0, $0xb8;
	[tilespmem:$0x11000] =	vst v63  }
0x38a: {  	v57 =	vperm.xlane v25, v15;
	v26 =	vadd.s32 v3, v56;
	s0 =	simm.s32 $0x2D00  }
0x38b: {  	[tilespmem:s0], [sflag:$0x1] =	stream.indirect_vreg.gather [hbm4b:s31+s4], $0x80, v27, vm0, $0xb8;
	[tilespmem:$0x11000] =	vst v63  }
0x38c: {  	v58 =	vperm.xlane v25, v16;
	v27 =	vadd.s32 v3, v57;
	s0 =	simm.s32 $0x2D80  }
0x38d: {  	[tilespmem:s0], [sflag:$0x1] =	stream.indirect_vreg.gather [hbm4b:s31+s4], $0x80, v55, vm0, $0xb8;
	[tilespmem:$0x11000] =	vst v63  }
0x38e: {  	v25 =	vperm.xlane v25, v17;
	v59 =	vadd.s32 v3, v58;
	s0 =	simm.s32 $0x2E00  }
0x38f: {  	[tilespmem:s0], [sflag:$0x1] =	stream.indirect_vreg.gather [hbm4b:s31+s4], $0x80, v26, vm0, $0xb8;
	[tilespmem:$0x11000] =	vst v63  }
0x390: {  	v25 =	vadd.s32 v3, v25;
	s0 =	simm.s32 $0x2E80  }
0x391: {  	[tilespmem:s0], [sflag:$0x1] =	stream.indirect_vreg.gather [hbm4b:s31+s4], $0x80, v27, vm0, $0xb8;
	[tilespmem:$0x11000] =	vst v63  }
0x392: {  	s0 =	simm.s32 $0x2F00  }
0x393: {  	[tilespmem:s0], [sflag:$0x1] =	stream.indirect_vreg.gather [hbm4b:s31+s4], $0x80, v59, vm0, $0xb8;
	[tilespmem:$0x11000] =	vst v63  }
0x394: {  	s0 =	simm.s32 $0x2F80  }
0x395: {  	[tilespmem:s0], [sflag:$0x1] =	stream.indirect_vreg.gather [hbm4b:s31+s4], $0x80, v25, vm0, $0xb8;
	[tilespmem:$0x11000] =	vst v63  }
0x396: {  	v25 =	vld [tilespmem:s5+$0x40];
	_ =	sdelay $0x4  }
0x397: {  	v26 =	vshrl.u32 v25, $0x3  }
0x398: {  	v26 =	vmul.u32 $0x4E8, v26  }
0x399: {  	v25 =	vand.u32 $0x7, v25  }
0x39a: {  	v25 =	vor.u32 v25, v26  }
0x39b: {  	v26 =	vperm.xlane v25, v2;
	_ =	sdelay $0x1  }
0x39c: {  	v27 =	vperm.xlane v25, v4;
	v26 =	vadd.s32 v3, v26;
	_ =	sdelay $0x1  }
0x39d: {  	v60 =	vperm.xlane v25, v5;
	v27 =	vadd.s32 v3, v27;
	_ =	sdelay $0x1  }
0x39e: {  	s0 =	simm.s32 $0x3000;
	v61 =	vperm.xlane v25, v0;
	v28 =	vadd.s32 v3, v60  }
0x39f: {  	[tilespmem:s0], [sflag:$0x1] =	stream.indirect_vreg.gather [hbm4b:s31+s4], $0x80, v26, vm0, $0xb8;
	[tilespmem:$0x11000] =	vst v63  }
0x3a0: {  	v62 =	vperm.xlane v25, v6;
	v26 =	vadd.s32 v3, v61;
	s0 =	simm.s32 $0x3080  }
0x3a1: {  	[tilespmem:s0], [sflag:$0x1] =	stream.indirect_vreg.gather [hbm4b:s31+s4], $0x80, v27, vm0, $0xb8;
	[tilespmem:$0x11000] =	vst v63  }
0x3a2: {  	v63 =	vperm.xlane v25, v7;
	v27 =	vadd.s32 v3, v62;
	s0 =	simm.s32 $0x3100  }
0x3a3: {  	[tilespmem:s0], [sflag:$0x1] =	stream.indirect_vreg.gather [hbm4b:s31+s4], $0x80, v28, vm0, $0xb8;
	[tilespmem:$0x11000] =	vst v63  }
0x3a4: {  	v33 =	vperm.xlane v25, v8;
	v32 =	vadd.s32 v3, v63;
	s0 =	simm.s32 $0x3180  }
0x3a5: {  	[tilespmem:s0], [sflag:$0x1] =	stream.indirect_vreg.gather [hbm4b:s31+s4], $0x80, v26, vm0, $0xb8;
	[tilespmem:$0x11000] =	vst v63  }
0x3a6: {  	v34 =	vperm.xlane v25, v1;
	v26 =	vadd.s32 v3, v33;
	s0 =	simm.s32 $0x3200  }
0x3a7: {  	[tilespmem:s0], [sflag:$0x1] =	stream.indirect_vreg.gather [hbm4b:s31+s4], $0x80, v27, vm0, $0xb8;
	[tilespmem:$0x11000] =	vst v63  }
0x3a8: {  	v35 =	vperm.xlane v25, v9;
	v27 =	vadd.s32 v3, v34;
	s0 =	simm.s32 $0x3280  }
0x3a9: {  	[tilespmem:s0], [sflag:$0x1] =	stream.indirect_vreg.gather [hbm4b:s31+s4], $0x80, v32, vm0, $0xb8;
	[tilespmem:$0x11000] =	vst v63  }
0x3aa: {  	v37 =	vperm.xlane v25, v10;
	v36 =	vadd.s32 v3, v35;
	s0 =	simm.s32 $0x3300  }
0x3ab: {  	[tilespmem:s0], [sflag:$0x1] =	stream.indirect_vreg.gather [hbm4b:s31+s4], $0x80, v26, vm0, $0xb8;
	[tilespmem:$0x11000] =	vst v63  }
0x3ac: {  	v38 =	vperm.xlane v25, v11;
	v26 =	vadd.s32 v3, v37;
	s0 =	simm.s32 $0x3380  }
0x3ad: {  	[tilespmem:s0], [sflag:$0x1] =	stream.indirect_vreg.gather [hbm4b:s31+s4], $0x80, v27, vm0, $0xb8;
	[tilespmem:$0x11000] =	vst v63  }
0x3ae: {  	v39 =	vperm.xlane v25, v13;
	v27 =	vadd.s32 v3, v38;
	s0 =	simm.s32 $0x3400  }
0x3af: {  	[tilespmem:s0], [sflag:$0x1] =	stream.indirect_vreg.gather [hbm4b:s31+s4], $0x80, v36, vm0, $0xb8;
	[tilespmem:$0x11000] =	vst v63  }
0x3b0: {  	v41 =	vperm.xlane v25, v14;
	v40 =	vadd.s32 v3, v39;
	s0 =	simm.s32 $0x3480  }
0x3b1: {  	[tilespmem:s0], [sflag:$0x1] =	stream.indirect_vreg.gather [hbm4b:s31+s4], $0x80, v26, vm0, $0xb8;
	[tilespmem:$0x11000] =	vst v63  }
0x3b2: {  	v42 =	vperm.xlane v25, v15;
	v26 =	vadd.s32 v3, v41;
	s0 =	simm.s32 $0x3500  }
0x3b3: {  	[tilespmem:s0], [sflag:$0x1] =	stream.indirect_vreg.gather [hbm4b:s31+s4], $0x80, v27, vm0, $0xb8;
	[tilespmem:$0x11000] =	vst v63  }
0x3b4: {  	v43 =	vperm.xlane v25, v16;
	v27 =	vadd.s32 v3, v42;
	s0 =	simm.s32 $0x3580  }
0x3b5: {  	[tilespmem:s0], [sflag:$0x1] =	stream.indirect_vreg.gather [hbm4b:s31+s4], $0x80, v40, vm0, $0xb8;
	[tilespmem:$0x11000] =	vst v63  }
0x3b6: {  	v25 =	vperm.xlane v25, v17;
	v44 =	vadd.s32 v3, v43;
	s0 =	simm.s32 $0x3600  }
0x3b7: {  	[tilespmem:s0], [sflag:$0x1] =	stream.indirect_vreg.gather [hbm4b:s31+s4], $0x80, v26, vm0, $0xb8;
	[tilespmem:$0x11000] =	vst v63  }
0x3b8: {  	v25 =	vadd.s32 v3, v25;
	s0 =	simm.s32 $0x3680  }
0x3b9: {  	[tilespmem:s0], [sflag:$0x1] =	stream.indirect_vreg.gather [hbm4b:s31+s4], $0x80, v27, vm0, $0xb8;
	[tilespmem:$0x11000] =	vst v63  }
0x3ba: {  	s0 =	simm.s32 $0x3700  }
0x3bb: {  	[tilespmem:s0], [sflag:$0x1] =	stream.indirect_vreg.gather [hbm4b:s31+s4], $0x80, v44, vm0, $0xb8;
	[tilespmem:$0x11000] =	vst v63  }
0x3bc: {  	s0 =	simm.s32 $0x3780  }
0x3bd: {  	[tilespmem:s0], [sflag:$0x1] =	stream.indirect_vreg.gather [hbm4b:s31+s4], $0x80, v25, vm0, $0xb8;
	[tilespmem:$0x11000] =	vst v63  }
0x3be: {  	v25 =	vld [tilespmem:s5+$0x50];
	_ =	sdelay $0x4  }
0x3bf: {  	v26 =	vshrl.u32 v25, $0x3  }
0x3c0: {  	v26 =	vmul.u32 $0x4E8, v26  }
0x3c1: {  	v25 =	vand.u32 $0x7, v25  }
0x3c2: {  	v25 =	vor.u32 v25, v26  }
0x3c3: {  	v26 =	vperm.xlane v25, v2;
	_ =	sdelay $0x1  }
0x3c4: {  	v27 =	vperm.xlane v25, v4;
	v26 =	vadd.s32 v3, v26;
	_ =	sdelay $0x1  }
0x3c5: {  	v45 =	vperm.xlane v25, v5;
	v27 =	vadd.s32 v3, v27;
	_ =	sdelay $0x1  }
0x3c6: {  	s0 =	simm.s32 $0x3800;
	v46 =	vperm.xlane v25, v0;
	v28 =	vadd.s32 v3, v45  }
0x3c7: {  	[tilespmem:s0], [sflag:$0x1] =	stream.indirect_vreg.gather [hbm4b:s31+s4], $0x80, v26, vm0, $0xb8;
	[tilespmem:$0x11000] =	vst v63  }
0x3c8: {  	v47 =	vperm.xlane v25, v6;
	v26 =	vadd.s32 v3, v46;
	s0 =	simm.s32 $0x3880  }
0x3c9: {  	[tilespmem:s0], [sflag:$0x1] =	stream.indirect_vreg.gather [hbm4b:s31+s4], $0x80, v27, vm0, $0xb8;
	[tilespmem:$0x11000] =	vst v63  }
0x3ca: {  	v48 =	vperm.xlane v25, v7;
	v27 =	vadd.s32 v3, v47;
	s0 =	simm.s32 $0x3900  }
0x3cb: {  	[tilespmem:s0], [sflag:$0x1] =	stream.indirect_vreg.gather [hbm4b:s31+s4], $0x80, v28, vm0, $0xb8;
	[tilespmem:$0x11000] =	vst v63  }
0x3cc: {  	v50 =	vperm.xlane v25, v8;
	v49 =	vadd.s32 v3, v48;
	s0 =	simm.s32 $0x3980  }
0x3cd: {  	[tilespmem:s0], [sflag:$0x1] =	stream.indirect_vreg.gather [hbm4b:s31+s4], $0x80, v26, vm0, $0xb8;
	[tilespmem:$0x11000] =	vst v63  }
0x3ce: {  	v51 =	vperm.xlane v25, v1;
	v26 =	vadd.s32 v3, v50;
	s0 =	simm.s32 $0x3A00  }
0x3cf: {  	[tilespmem:s0], [sflag:$0x1] =	stream.indirect_vreg.gather [hbm4b:s31+s4], $0x80, v27, vm0, $0xb8;
	[tilespmem:$0x11000] =	vst v63  }
0x3d0: {  	v52 =	vperm.xlane v25, v9;
	v27 =	vadd.s32 v3, v51;
	s0 =	simm.s32 $0x3A80  }
0x3d1: {  	[tilespmem:s0], [sflag:$0x1] =	stream.indirect_vreg.gather [hbm4b:s31+s4], $0x80, v49, vm0, $0xb8;
	[tilespmem:$0x11000] =	vst v63  }
0x3d2: {  	v54 =	vperm.xlane v25, v10;
	v53 =	vadd.s32 v3, v52;
	s0 =	simm.s32 $0x3B00  }
0x3d3: {  	[tilespmem:s0], [sflag:$0x1] =	stream.indirect_vreg.gather [hbm4b:s31+s4], $0x80, v26, vm0, $0xb8;
	[tilespmem:$0x11000] =	vst v63  }
0x3d4: {  	v55 =	vperm.xlane v25, v11;
	v26 =	vadd.s32 v3, v54;
	s0 =	simm.s32 $0x3B80  }
0x3d5: {  	[tilespmem:s0], [sflag:$0x1] =	stream.indirect_vreg.gather [hbm4b:s31+s4], $0x80, v27, vm0, $0xb8;
	[tilespmem:$0x11000] =	vst v63  }
0x3d6: {  	v56 =	vperm.xlane v25, v13;
	v27 =	vadd.s32 v3, v55;
	s0 =	simm.s32 $0x3C00  }
0x3d7: {  	[tilespmem:s0], [sflag:$0x1] =	stream.indirect_vreg.gather [hbm4b:s31+s4], $0x80, v53, vm0, $0xb8;
	[tilespmem:$0x11000] =	vst v63  }
0x3d8: {  	v58 =	vperm.xlane v25, v14;
	v57 =	vadd.s32 v3, v56;
	s0 =	simm.s32 $0x3C80  }
0x3d9: {  	[tilespmem:s0], [sflag:$0x1] =	stream.indirect_vreg.gather [hbm4b:s31+s4], $0x80, v26, vm0, $0xb8;
	[tilespmem:$0x11000] =	vst v63  }
0x3da: {  	v59 =	vperm.xlane v25, v15;
	v26 =	vadd.s32 v3, v58;
	s0 =	simm.s32 $0x3D00  }
0x3db: {  	[tilespmem:s0], [sflag:$0x1] =	stream.indirect_vreg.gather [hbm4b:s31+s4], $0x80, v27, vm0, $0xb8;
	[tilespmem:$0x11000] =	vst v63  }
0x3dc: {  	v60 =	vperm.xlane v25, v16;
	v27 =	vadd.s32 v3, v59;
	s0 =	simm.s32 $0x3D80  }
0x3dd: {  	[tilespmem:s0], [sflag:$0x1] =	stream.indirect_vreg.gather [hbm4b:s31+s4], $0x80, v57, vm0, $0xb8;
	[tilespmem:$0x11000] =	vst v63  }
0x3de: {  	v25 =	vperm.xlane v25, v17;
	v61 =	vadd.s32 v3, v60;
	s0 =	simm.s32 $0x3E00  }
0x3df: {  	[tilespmem:s0], [sflag:$0x1] =	stream.indirect_vreg.gather [hbm4b:s31+s4], $0x80, v26, vm0, $0xb8;
	[tilespmem:$0x11000] =	vst v63  }
0x3e0: {  	v25 =	vadd.s32 v3, v25;
	s0 =	simm.s32 $0x3E80  }
0x3e1: {  	[tilespmem:s0], [sflag:$0x1] =	stream.indirect_vreg.gather [hbm4b:s31+s4], $0x80, v27, vm0, $0xb8;
	[tilespmem:$0x11000] =	vst v63  }
0x3e2: {  	s0 =	simm.s32 $0x3F00  }
0x3e3: {  	[tilespmem:s0], [sflag:$0x1] =	stream.indirect_vreg.gather [hbm4b:s31+s4], $0x80, v61, vm0, $0xb8;
	[tilespmem:$0x11000] =	vst v63  }
0x3e4: {  	s0 =	simm.s32 $0x3F80  }
0x3e5: {  	[tilespmem:s0], [sflag:$0x1] =	stream.indirect_vreg.gather [hbm4b:s31+s4], $0x80, v25, vm0, $0xb8;
	[tilespmem:$0x11000] =	vst v63  }
0x3e6: {  	v25 =	vld [tilespmem:s5+$0x60];
	_ =	sdelay $0x4  }
0x3e7: {  	v26 =	vshrl.u32 v25, $0x3  }
0x3e8: {  	v26 =	vmul.u32 $0x4E8, v26  }
0x3e9: {  	v25 =	vand.u32 $0x7, v25  }
0x3ea: {  	v25 =	vor.u32 v25, v26  }
0x3eb: {  	v26 =	vperm.xlane v25, v2;
	_ =	sdelay $0x1  }
0x3ec: {  	v27 =	vperm.xlane v25, v4;
	v26 =	vadd.s32 v3, v26;
	_ =	sdelay $0x1  }
0x3ed: {  	v62 =	vperm.xlane v25, v5;
	v27 =	vadd.s32 v3, v27;
	_ =	sdelay $0x1  }
0x3ee: {  	s0 =	simm.s32 $0x4000;
	v63 =	vperm.xlane v25, v0;
	v28 =	vadd.s32 v3, v62  }
0x3ef: {  	[tilespmem:s0], [sflag:$0x1] =	stream.indirect_vreg.gather [hbm4b:s31+s4], $0x80, v26, vm0, $0xb8;
	[tilespmem:$0x11000] =	vst v63  }
0x3f0: {  	v32 =	vperm.xlane v25, v6;
	v26 =	vadd.s32 v3, v63;
	s0 =	simm.s32 $0x4080  }
0x3f1: {  	[tilespmem:s0], [sflag:$0x1] =	stream.indirect_vreg.gather [hbm4b:s31+s4], $0x80, v27, vm0, $0xb8;
	[tilespmem:$0x11000] =	vst v63  }
0x3f2: {  	v33 =	vperm.xlane v25, v7;
	v27 =	vadd.s32 v3, v32;
	s0 =	simm.s32 $0x4100  }
0x3f3: {  	[tilespmem:s0], [sflag:$0x1] =	stream.indirect_vreg.gather [hbm4b:s31+s4], $0x80, v28, vm0, $0xb8;
	[tilespmem:$0x11000] =	vst v63  }
0x3f4: {  	v35 =	vperm.xlane v25, v8;
	v34 =	vadd.s32 v3, v33;
	s0 =	simm.s32 $0x4180  }
0x3f5: {  	[tilespmem:s0], [sflag:$0x1] =	stream.indirect_vreg.gather [hbm4b:s31+s4], $0x80, v26, vm0, $0xb8;
	[tilespmem:$0x11000] =	vst v63  }
0x3f6: {  	v36 =	vperm.xlane v25, v1;
	v26 =	vadd.s32 v3, v35;
	s0 =	simm.s32 $0x4200  }
0x3f7: {  	[tilespmem:s0], [sflag:$0x1] =	stream.indirect_vreg.gather [hbm4b:s31+s4], $0x80, v27, vm0, $0xb8;
	[tilespmem:$0x11000] =	vst v63  }
0x3f8: {  	v37 =	vperm.xlane v25, v9;
	v27 =	vadd.s32 v3, v36;
	s0 =	simm.s32 $0x4280  }
0x3f9: {  	[tilespmem:s0], [sflag:$0x1] =	stream.indirect_vreg.gather [hbm4b:s31+s4], $0x80, v34, vm0, $0xb8;
	[tilespmem:$0x11000] =	vst v63  }
0x3fa: {  	v39 =	vperm.xlane v25, v10;
	v38 =	vadd.s32 v3, v37;
	s0 =	simm.s32 $0x4300  }
0x3fb: {  	[tilespmem:s0], [sflag:$0x1] =	stream.indirect_vreg.gather [hbm4b:s31+s4], $0x80, v26, vm0, $0xb8;
	[tilespmem:$0x11000] =	vst v63  }
0x3fc: {  	v40 =	vperm.xlane v25, v11;
	v26 =	vadd.s32 v3, v39;
	s0 =	simm.s32 $0x4380  }
0x3fd: {  	[tilespmem:s0], [sflag:$0x1] =	stream.indirect_vreg.gather [hbm4b:s31+s4], $0x80, v27, vm0, $0xb8;
	[tilespmem:$0x11000] =	vst v63  }
0x3fe: {  	v41 =	vperm.xlane v25, v13;
	v27 =	vadd.s32 v3, v40;
	s0 =	simm.s32 $0x4400  }
0x3ff: {  	[tilespmem:s0], [sflag:$0x1] =	stream.indirect_vreg.gather [hbm4b:s31+s4], $0x80, v38, vm0, $0xb8;
	[tilespmem:$0x11000] =	vst v63  }
0x400: {  	v43 =	vperm.xlane v25, v14;
	v42 =	vadd.s32 v3, v41;
	s0 =	simm.s32 $0x4480  }
0x401: {  	[tilespmem:s0], [sflag:$0x1] =	stream.indirect_vreg.gather [hbm4b:s31+s4], $0x80, v26, vm0, $0xb8;
	[tilespmem:$0x11000] =	vst v63  }
0x402: {  	v44 =	vperm.xlane v25, v15;
	v26 =	vadd.s32 v3, v43;
	s0 =	simm.s32 $0x4500  }
0x403: {  	[tilespmem:s0], [sflag:$0x1] =	stream.indirect_vreg.gather [hbm4b:s31+s4], $0x80, v27, vm0, $0xb8;
	[tilespmem:$0x11000] =	vst v63  }
0x404: {  	v45 =	vperm.xlane v25, v16;
	v27 =	vadd.s32 v3, v44;
	s0 =	simm.s32 $0x4580  }
0x405: {  	[tilespmem:s0], [sflag:$0x1] =	stream.indirect_vreg.gather [hbm4b:s31+s4], $0x80, v42, vm0, $0xb8;
	[tilespmem:$0x11000] =	vst v63  }
0x406: {  	v25 =	vperm.xlane v25, v17;
	v46 =	vadd.s32 v3, v45;
	s0 =	simm.s32 $0x4600  }
0x407: {  	[tilespmem:s0], [sflag:$0x1] =	stream.indirect_vreg.gather [hbm4b:s31+s4], $0x80, v26, vm0, $0xb8;
	[tilespmem:$0x11000] =	vst v63  }
0x408: {  	v25 =	vadd.s32 v3, v25;
	s0 =	simm.s32 $0x4680  }
0x409: {  	[tilespmem:s0], [sflag:$0x1] =	stream.indirect_vreg.gather [hbm4b:s31+s4], $0x80, v27, vm0, $0xb8;
	[tilespmem:$0x11000] =	vst v63  }
0x40a: {  	s0 =	simm.s32 $0x4700  }
0x40b: {  	[tilespmem:s0], [sflag:$0x1] =	stream.indirect_vreg.gather [hbm4b:s31+s4], $0x80, v46, vm0, $0xb8;
	[tilespmem:$0x11000] =	vst v63  }
0x40c: {  	s0 =	simm.s32 $0x4780  }
0x40d: {  	[tilespmem:s0], [sflag:$0x1] =	stream.indirect_vreg.gather [hbm4b:s31+s4], $0x80, v25, vm0, $0xb8;
	[tilespmem:$0x11000] =	vst v63  }
0x40e: {  	v25 =	vld [tilespmem:s5+$0x70];
	_ =	sdelay $0x4  }
0x40f: {  	v26 =	vshrl.u32 v25, $0x3  }
0x410: {  	v26 =	vmul.u32 $0x4E8, v26  }
0x411: {  	v25 =	vand.u32 $0x7, v25  }
0x412: {  	v25 =	vor.u32 v25, v26  }
0x413: {  	v26 =	vperm.xlane v25, v2;
	_ =	sdelay $0x1  }
0x414: {  	v27 =	vperm.xlane v25, v4;
	v26 =	vadd.s32 v3, v26;
	_ =	sdelay $0x1  }
0x415: {  	v47 =	vperm.xlane v25, v5;
	v27 =	vadd.s32 v3, v27;
	_ =	sdelay $0x1  }
0x416: {  	s0 =	simm.s32 $0x4800;
	v48 =	vperm.xlane v25, v0;
	v28 =	vadd.s32 v3, v47  }
0x417: {  	[tilespmem:s0], [sflag:$0x1] =	stream.indirect_vreg.gather [hbm4b:s31+s4], $0x80, v26, vm0, $0xb8;
	[tilespmem:$0x11000] =	vst v63  }
0x418: {  	v49 =	vperm.xlane v25, v6;
	v26 =	vadd.s32 v3, v48;
	s0 =	simm.s32 $0x4880  }
0x419: {  	[tilespmem:s0], [sflag:$0x1] =	stream.indirect_vreg.gather [hbm4b:s31+s4], $0x80, v27, vm0, $0xb8;
	[tilespmem:$0x11000] =	vst v63  }
0x41a: {  	v50 =	vperm.xlane v25, v7;
	v27 =	vadd.s32 v3, v49;
	s0 =	simm.s32 $0x4900  }
0x41b: {  	[tilespmem:s0], [sflag:$0x1] =	stream.indirect_vreg.gather [hbm4b:s31+s4], $0x80, v28, vm0, $0xb8;
	[tilespmem:$0x11000] =	vst v63  }
0x41c: {  	v52 =	vperm.xlane v25, v8;
	v51 =	vadd.s32 v3, v50;
	s0 =	simm.s32 $0x4980  }
0x41d: {  	[tilespmem:s0], [sflag:$0x1] =	stream.indirect_vreg.gather [hbm4b:s31+s4], $0x80, v26, vm0, $0xb8;
	[tilespmem:$0x11000] =	vst v63  }
0x41e: {  	v53 =	vperm.xlane v25, v1;
	v26 =	vadd.s32 v3, v52;
	s0 =	simm.s32 $0x4A00  }
0x41f: {  	[tilespmem:s0], [sflag:$0x1] =	stream.indirect_vreg.gather [hbm4b:s31+s4], $0x80, v27, vm0, $0xb8;
	[tilespmem:$0x11000] =	vst v63  }
0x420: {  	v54 =	vperm.xlane v25, v9;
	v27 =	vadd.s32 v3, v53;
	s0 =	simm.s32 $0x4A80  }
0x421: {  	[tilespmem:s0], [sflag:$0x1] =	stream.indirect_vreg.gather [hbm4b:s31+s4], $0x80, v51, vm0, $0xb8;
	[tilespmem:$0x11000] =	vst v63  }
0x422: {  	v56 =	vperm.xlane v25, v10;
	v55 =	vadd.s32 v3, v54;
	s0 =	simm.s32 $0x4B00  }
0x423: {  	[tilespmem:s0], [sflag:$0x1] =	stream.indirect_vreg.gather [hbm4b:s31+s4], $0x80, v26, vm0, $0xb8;
	[tilespmem:$0x11000] =	vst v63  }
0x424: {  	v57 =	vperm.xlane v25, v11;
	v26 =	vadd.s32 v3, v56;
	s0 =	simm.s32 $0x4B80  }
0x425: {  	[tilespmem:s0], [sflag:$0x1] =	stream.indirect_vreg.gather [hbm4b:s31+s4], $0x80, v27, vm0, $0xb8;
	[tilespmem:$0x11000] =	vst v63  }
0x426: {  	v58 =	vperm.xlane v25, v13;
	v27 =	vadd.s32 v3, v57;
	s0 =	simm.s32 $0x4C00  }
0x427: {  	[tilespmem:s0], [sflag:$0x1] =	stream.indirect_vreg.gather [hbm4b:s31+s4], $0x80, v55, vm0, $0xb8;
	[tilespmem:$0x11000] =	vst v63  }
0x428: {  	v60 =	vperm.xlane v25, v14;
	v59 =	vadd.s32 v3, v58;
	s0 =	simm.s32 $0x4C80  }
0x429: {  	[tilespmem:s0], [sflag:$0x1] =	stream.indirect_vreg.gather [hbm4b:s31+s4], $0x80, v26, vm0, $0xb8;
	[tilespmem:$0x11000] =	vst v63  }
0x42a: {  	v61 =	vperm.xlane v25, v15;
	v26 =	vadd.s32 v3, v60;
	s0 =	simm.s32 $0x4D00  }
0x42b: {  	[tilespmem:s0], [sflag:$0x1] =	stream.indirect_vreg.gather [hbm4b:s31+s4], $0x80, v27, vm0, $0xb8;
	[tilespmem:$0x11000] =	vst v63  }
0x42c: {  	v27 =	vadd.s32 v3, v61;
	s0 =	simm.s32 $0x4D80  }
0x42d: {  	v62 =	vperm.xlane v25, v16;
	[tilespmem:s0], [sflag:$0x1] =	stream.indirect_vreg.gather [hbm4b:s31+s4], $0x80, v59, vm0, $0xb8;
	[tilespmem:$0x11000] =	vst v63  }
0x42e: {  	s0 =	simm.s32 $0x4E00  }
0x42f: {  	v25 =	vperm.xlane v25, v17;
	v63 =	vadd.s32 v3, v62;
	[tilespmem:s0], [sflag:$0x1] =	stream.indirect_vreg.gather [hbm4b:s31+s4], $0x80, v26, vm0, $0xb8;
	[tilespmem:$0x11000] =	vst v63  }
0x430: {  	s0 =	simm.s32 $0x4E80  }
0x431: {  	v25 =	vadd.s32 v3, v25;
	[tilespmem:s0], [sflag:$0x1] =	stream.indirect_vreg.gather [hbm4b:s31+s4], $0x80, v27, vm0, $0xb8;
	[tilespmem:$0x11000] =	vst v63  }
.Ltmp2:
0x432: {  	_ = 	snop;
	(pc) =	sbr.rel @p0 .LBB2_7-.Ltmp2, $4  }
0x433: {  	s0 =	simm.s32 $0x4F00  }
0x434: {  	[tilespmem:s0], [sflag:$0x1] =	stream.indirect_vreg.gather [hbm4b:s31+s4], $0x80, v63, vm0, $0xb8;
	[tilespmem:$0x11000] =	vst v63  }
0x435: {  	s0 =	simm.s32 $0x4F80  }
0x436: {  	[tilespmem:s0], [sflag:$0x1] =	stream.indirect_vreg.gather [hbm4b:s31+s4], $0x80, v25, vm0, $0xb8;
	[tilespmem:$0x11000] =	vst v63  }
.LBB2_6:
0x437: {  	_ =	swait.ge [sflag:s12], $0x4000  }
0x438: {  	[sflag:s12] =	ssyncset.done $0x0  }
0x439: {  	[sflag:s12] =	ssyncadd.s32 $0xFFFFC000  }
.LBB2_7:
0x43a: {  	s0 =	simm.s32 $0x0  }
0x43b: {  	v25 =	vmov s0  }
0x43c: {  	v25 =	vand.u32 $0x7F, v25  }
0x43d: {  	v25 =	vbroadcast v25, $0x0;
	_ =	sdelay $0x1  }
0x43e: {  	v26 =	vor.u32 v12, v25;
	_ =	sdelay $0x4  }
0x43f: {  	v26 =	vld.idx.msk [tilespmem:v26+s14+$0x0], $0xffff  }
0x440: {  	v27 =	vor.u32 v18, v25;
	_ =	sdelay $0x2  }
0x441: {  	s31 =	simm.s32 $0xD040  }
0x442: {  	[tilespmem:s31+$0xFFFFFFC0] =	vst v26  }
0x443: {  	v26 =	vld.idx.msk [tilespmem:v27+s14+$0x0], $0xffff  }
0x444: {  	v27 =	vor.u32 v19, v25;
	_ =	sdelay $0x3  }
0x445: {  	[tilespmem:s31+$0xFFFFFFD0] =	vst v26  }
0x446: {  	v26 =	vld.idx.msk [tilespmem:v27+s14+$0x0], $0xffff  }
0x447: {  	v27 =	vor.u32 v20, v25;
	_ =	sdelay $0x3  }
0x448: {  	[tilespmem:s31+$0xFFFFFFE0] =	vst v26  }
0x449: {  	v26 =	vld.idx.msk [tilespmem:v27+s14+$0x0], $0xffff  }
0x44a: {  	v27 =	vor.u32 v21, v25;
	_ =	sdelay $0x3  }
0x44b: {  	[tilespmem:s31+$0xFFFFFFF0] =	vst v26  }
0x44c: {  	v26 =	vld.idx.msk [tilespmem:v27+s14+$0x0], $0xffff  }
0x44d: {  	v27 =	vor.u32 v22, v25;
	_ =	sdelay $0x3  }
0x44e: {  	[tilespmem:s31+$0x0] =	vst v26  }
0x44f: {  	v26 =	vld.idx.msk [tilespmem:v27+s14+$0x0], $0xffff  }
0x450: {  	v27 =	vor.u32 v23, v25;
	_ =	sdelay $0x3  }
0x451: {  	[tilespmem:s31+$0x10] =	vst v26  }
0x452: {  	v26 =	vld.idx.msk [tilespmem:v27+s14+$0x0], $0xffff  }
0x453: {  	v25 =	vor.u32 v24, v25;
	_ =	sdelay $0x1  }
0x454: {  	s0 =	simm.s32 $0x1  }
0x455: {  	v27 =	vmov s0;
	s0 =	simm.s32 $0x2  }
.LBB2_8:
0x456: {  	p0 =	sne.s32 s0, $0x7F;
	v27 =	vand.u32 $0x7F, v27;
	[tilespmem:s31+$0x20] =	vst v26  }
0x457: {  	v27 =	vbroadcast v27, $0x0;
	v25 =	vld.idx.msk [tilespmem:v25+s14+$0x0], $0xffff;
	_ =	sdelay $0x1  }
0x458: {  	v26 =	vor.u32 v12, v27;
	_ =	sdelay $0x3  }
0x459: {  	[tilespmem:s31+$0x30] =	vst v25  }
0x45a: {  	v25 =	vld.idx.msk [tilespmem:v26+s14+$0x0], $0xffff;
	_ =	sdelay $0x1  }
0x45b: {  	v26 =	vor.u32 v18, v27;
	_ =	sdelay $0x2  }
0x45c: {  	s31 =	sadd.s32 $0x80, s31  }
0x45d: {  	[tilespmem:s31+$0xFFFFFFC0] =	vst v25  }
0x45e: {  	v25 =	vld.idx.msk [tilespmem:v26+s14+$0x0], $0xffff;
	_ =	sdelay $0x1  }
0x45f: {  	v26 =	vor.u32 v19, v27;
	_ =	sdelay $0x3  }
0x460: {  	[tilespmem:s31+$0xFFFFFFD0] =	vst v25  }
0x461: {  	v25 =	vld.idx.msk [tilespmem:v26+s14+$0x0], $0xffff;
	_ =	sdelay $0x1  }
0x462: {  	v26 =	vor.u32 v20, v27;
	_ =	sdelay $0x3  }
0x463: {  	[tilespmem:s31+$0xFFFFFFE0] =	vst v25  }
0x464: {  	v25 =	vld.idx.msk [tilespmem:v26+s14+$0x0], $0xffff;
	_ =	sdelay $0x1  }
0x465: {  	v26 =	vor.u32 v21, v27;
	_ =	sdelay $0x3  }
0x466: {  	[tilespmem:s31+$0xFFFFFFF0] =	vst v25  }
0x467: {  	v25 =	vld.idx.msk [tilespmem:v26+s14+$0x0], $0xffff;
	_ =	sdelay $0x1  }
0x468: {  	v26 =	vor.u32 v22, v27;
	_ =	sdelay $0x3  }
0x469: {  	[tilespmem:s31+$0x0] =	vst v25  }
0x46a: {  	v25 =	vld.idx.msk [tilespmem:v26+s14+$0x0], $0xffff;
	_ =	sdelay $0x1  }
0x46b: {  	v26 =	vor.u32 v23, v27;
	_ =	sdelay $0x3  }
0x46c: {  	[tilespmem:s31+$0x10] =	vst v25  }
0x46d: {  	v26 =	vld.idx.msk [tilespmem:v26+s14+$0x0], $0xffff  }
.Ltmp3:
0x46e: {  	(pc) =	sbr.rel @p0 .LBB2_8-.Ltmp3, $2  }
0x46f: {  	v25 =	vor.u32 v24, v27;
	_ =	sdelay $0x2  }
0x470: {  	v27 =	vmov s0;
	s0 =	sadd.s32 $0x1, s0  }
0x471: {  	_ =	sdelay $0x1  }
0x472: {  	v27 =	vand.u32 $0x7F, v27  }
0x473: {  	[tilespmem:s31+$0x20] =	vst v26;
	v26 =	vbroadcast v27, $0x0  }
0x474: {  	v25 =	vld.idx.msk [tilespmem:v25+s14+$0x0], $0xffff  }
0x475: {  	v27 =	vor.u32 v12, v26;
	_ =	sdelay $0x3  }
0x476: {  	[tilespmem:s31+$0x30] =	vst v25  }
0x477: {  	v25 =	vld.idx.msk [tilespmem:v27+s14+$0x0], $0xffff  }
0x478: {  	v27 =	vor.u32 v18, v26;
	_ =	sdelay $0x2  }
0x479: {  	s0 =	sadd.s32 $0x80, s31  }
0x47a: {  	[tilespmem:s0+$0xFFFFFFC0] =	vst v25  }
0x47b: {  	v25 =	vld.idx.msk [tilespmem:v27+s14+$0x0], $0xffff  }
0x47c: {  	v27 =	vor.u32 v19, v26;
	_ =	sdelay $0x3  }
0x47d: {  	[tilespmem:s0+$0xFFFFFFD0] =	vst v25  }
0x47e: {  	v25 =	vld.idx.msk [tilespmem:v27+s14+$0x0], $0xffff  }
0x47f: {  	v27 =	vor.u32 v20, v26;
	_ =	sdelay $0x3  }
0x480: {  	[tilespmem:s0+$0xFFFFFFE0] =	vst v25  }
0x481: {  	v25 =	vld.idx.msk [tilespmem:v27+s14+$0x0], $0xffff  }
0x482: {  	v27 =	vor.u32 v21, v26;
	_ =	sdelay $0x3  }
0x483: {  	[tilespmem:s0+$0xFFFFFFF0] =	vst v25  }
0x484: {  	v25 =	vld.idx.msk [tilespmem:v27+s14+$0x0], $0xffff  }
0x485: {  	v27 =	vor.u32 v22, v26;
	_ =	sdelay $0x3  }
0x486: {  	[tilespmem:s0+$0x0] =	vst v25  }
0x487: {  	v25 =	vld.idx.msk [tilespmem:v27+s14+$0x0], $0xffff  }
0x488: {  	v27 =	vor.u32 v23, v26;
	_ =	sdelay $0x3  }
0x489: {  	[tilespmem:s0+$0x10] =	vst v25  }
0x48a: {  	v25 =	vld.idx.msk [tilespmem:v27+s14+$0x0], $0xffff  }
0x48b: {  	v26 =	vor.u32 v24, v26;
	_ =	sdelay $0x3  }
0x48c: {  	[tilespmem:s0+$0x20] =	vst v25  }
0x48d: {  	s29 =	sadd.s32 $0x1, s29;
	v25 =	vld.idx.msk [tilespmem:v26+s14+$0x0], $0xffff  }
0x48e: {  	p0 =	sne.s32 s29, $0x4E  }
.Ltmp4:
0x48f: {  	_ = 	snop;
	(pc) =	sbr.rel @p0 .LBB2_2-.Ltmp4, $4  }
0x490: {  	_ = 	snop  }
0x491: {  	s30 =	sshll.u32 s30, $0x10  }
0x492: {  	s31 =	sadd.s32 s30, s6;
	[tilespmem:s0+$0x30] =	vst v25  }
0x493: {  	[hbm4b:s31+s1] =	stream.strided.scatter [tilespmem:s28], [sflag:$0x4], $0x4000, s7, s1, $0x38;
	[tilespmem:$0x11000] =	vst v63  }
0x494: {  	s0 =	simm.s32 $0x3  }
0x495: {  	_ =	swait.ge [sflag:s0], $0x4000  }
0x496: {  	[sflag:s0] =	ssyncset.done $0x0  }
0x497: {  	[sflag:s0] =	ssyncadd.s32 $0xFFFFC000  }
0x498: {  	_ =	swait.ge [sflag:s12], $0x4000  }
0x499: {  	s29 =	rddreg [dreg:$0x6]  }
0x49a: {  	s31 =	rddreg [dreg:$0x5];
	s29 =	sadd.s32 $0x1, s29  }
0x49b: {  	p0 =	sne.s32 s29, s31  }
.Ltmp5:
0x49c: {  	_ = 	snop;
	(pc) =	sbr.rel @p0 .LBB2_1-.Ltmp5, $3  }
0x49d: {  	_ =	sdelay $0x1  }
0x49e: {  	[sflag:s12] =	ssyncset.done $0x0  }
0x49f: {  	[sflag:s12] =	ssyncadd.s32 $0xFFFFC000  }
0x4a0: {  	_ =	sfence.sel $0x180000  }
0x4a1: {  	[bflag:$0x0] =	sbarrier.arrive $0xFFFF  }
0x4a2: {  	_ =	strace $0x90000047  }
0x4a3: {  	s0 =	stileid.u32;
	[bflag:$0x2] =	sbarrier.arrive $0xFFFF  }
0x4a4: {  	p0 =	sne.s32 s0, $0x0;
	s0 =	rddreg [dreg:$0x3]  }
0x4a5: {  	s0 =	sadd.s32 @!p0 $0x100000, s0  }
0x4a6: {  	[sflag:s0] =	ssyncadd.tile.s32 @!p0 $0x1;
	_ =	shalt  }
.Lfunc_end2:
_tile_overlayer_lowered:
.L_overlay_start_2:
0x4a7: {  	(tag) =	ssettag $0x2  }
0x4a8: {  	s0 =	rddreg [dreg:$0x0];
	s2 =	stileid.u32  }
0x4a9: {  	s1 =	rddreg [dreg:$0x1];
	p0 =	sne.s32 s2, $0x0  }
0x4aa: {  	s3 =	rddreg [dreg:$0x2];
	[bflag:$0x3] =	sbarrier.arrive $0xFFFF;
	s2 =	simm.s32 @!p0 $0x1C05  }
0x4ab: {  	[timem:s3], [sflag:s2] =	dma.local @!p0 [hbm:s0], s1  }
0x4ac: {  	s0 =	simm.s32 @!p0 $0x5  }
0x4ad: {  	_ =	swait.ge @!p0 [sflag:s0], s1  }
0x4ae: {  	s1 =	ssub.s32 @!p0 $0x0, s1;
	[sflag:s0] =	ssyncset.done @!p0 $0x0  }
0x4af: {  	[sflag:s0] =	ssyncadd.s32 @!p0 s1  }
0x4b0: {  	[bflag:$0x3] =	sbarrier.arrive $0xFFFF  }
0x4b1: {  	_ =	shalt  }

</sc_bundles>
